<compile_context>
chip_gen: v7x
topology: tpu7x:2x2x1
jax: 0.10.2.dev20260603
libtpu: 0.0.44.dev20260713+nightly
codegen_flags: <defaults>
</compile_context>

<pallas_src>
import functools

import jax
import jax.numpy as jnp
from jax import lax
from jax.experimental import pallas as pl
from jax.experimental.pallas import tpu as pltpu
from jax.experimental.pallas import tpu_sc as plsc

N = 10000
E = 160000
D_IN = 256
D_H = 512
D_OUT = 64

NC, NS = 2, 16
CHUNK = 128
NCH = 1280
EPAD = NCH * CHUNK
CPT = NCH // NS
HCPT = CPT // 2
WCPT = NCH // (NC * NS)
NPAD1 = 10240
RPT1 = NPAD1 // NS
NPAD2 = 10112
RPT2 = NPAD2 // NS
NXP = 10016


@functools.cache
def _mesh():
    return plsc.VectorSubcoreMesh(
        core_axis_name="c", subcore_axis_name="s", num_cores=NC, num_subcores=NS)


def _sc_degrees_body(srcp, dstp, ones_h, z1_h, deg_o, deg_i, idx_v, ones_v, acc,
                     dsem):
    cid = lax.axis_index("c")
    sid = lax.axis_index("s")
    d1 = pltpu.async_copy(ones_h, ones_v, dsem)
    d2 = pltpu.async_copy(z1_h, acc.at[pl.ds(sid * RPT1, RPT1)], dsem)

    @pl.when(cid == 0)
    def _():
        pltpu.sync_copy(srcp.at[pl.ds(sid * CPT, CPT)], idx_v)

    @pl.when(cid == 1)
    def _():
        pltpu.sync_copy(dstp.at[pl.ds(sid * CPT, CPT)], idx_v)

    d1.wait()
    d2.wait()
    plsc.subcore_barrier()

    def fire(j, c):
        pltpu.async_copy(ones_v, acc.at[idx_v.at[j]], dsem, add=True)
        return c

    lax.fori_loop(0, CPT, fire, 0)

    def drain(j, c):
        pltpu.make_async_copy(ones_v, acc.at[idx_v.at[0]], dsem).wait()
        return c

    lax.fori_loop(0, CPT, drain, 0)
    plsc.subcore_barrier()
    sl = pl.ds(sid * RPT1, RPT1)

    @pl.when(cid == 0)
    def _():
        pltpu.sync_copy(acc.at[sl], deg_o.at[sl])

    @pl.when(cid == 1)
    def _():
        pltpu.sync_copy(acc.at[sl], deg_i.at[sl])


@functools.cache
def _sc_degrees():
    return pl.kernel(
        _sc_degrees_body,
        out_type=[
            jax.ShapeDtypeStruct((NPAD1,), jnp.float32),
            jax.ShapeDtypeStruct((NPAD1,), jnp.float32),
        ],
        mesh=_mesh(),
        scratch_types=[
            pltpu.VMEM((CPT, CHUNK), jnp.int32),
            pltpu.VMEM((CHUNK,), jnp.float32),
            pltpu.VMEM_SHARED((NPAD1,), jnp.float32),
            pltpu.SemaphoreType.DMA,
        ],
    )


def _sc_scatter_body(srcp, dstp, x0, x1, ndp, z2_h, z1_h,
                     agg0, agg1, w0, w1,
                     isrc, idst, rows_a, rows_b, wvals, acc, wacc,
                     gsem, sasem, sbsem, wsem):
    cid = lax.axis_index("c")
    sid = lax.axis_index("s")
    sl2 = pl.ds(sid * RPT2, RPT2)
    sl1 = pl.ds(sid * RPT1, RPT1)
    pltpu.sync_copy(z2_h, acc.at[sl2])
    pltpu.sync_copy(z1_h, wacc.at[sl1])
    plsc.subcore_barrier()

    def load_half(h):
        d1 = pltpu.async_copy(
            srcp.at[pl.ds(sid * CPT + h * HCPT, HCPT)], isrc, gsem)
        d2 = pltpu.async_copy(
            dstp.at[pl.ds(sid * CPT + h * HCPT, HCPT)], idst, gsem)
        d1.wait()
        d2.wait()

    def wgather_fire(j, c):
        pltpu.async_copy(ndp.at[idst.at[j]], wvals.at[j], wsem)
        return c

    def wgather_drain(j, c):
        pltpu.make_async_copy(ndp.at[idst.at[0]], wvals.at[0], wsem).wait()
        return c

    def wscatter_fire(j, c):
        pltpu.async_copy(wvals.at[j], wacc.at[isrc.at[j]], wsem, add=True)
        return c

    def half_phase(xref, h, do_w):
        load_half(h)
        if do_w:
            lax.fori_loop(0, HCPT, wgather_fire, 0)

        def grp(t, c):
            for b, (rows, ssem) in enumerate(((rows_a, sasem), (rows_b, sbsem))):
                j = 2 * t + b

                @pl.when(t >= 1)
                def _():
                    pltpu.make_async_copy(rows, acc.at[idst.at[0]], ssem).wait()
                pltpu.async_copy(xref.at[isrc.at[j]], rows, gsem).wait()
                pltpu.async_copy(rows, acc.at[idst.at[j]], ssem, add=True)
            return c

        lax.fori_loop(0, HCPT // 2, grp, 0)
        if do_w:
            lax.fori_loop(0, HCPT, wgather_drain, 0)
            lax.fori_loop(0, HCPT, wscatter_fire, 0)
            lax.fori_loop(0, HCPT, wgather_drain, 0)
        pltpu.make_async_copy(rows_a, acc.at[idst.at[0]], sasem).wait()
        pltpu.make_async_copy(rows_b, acc.at[idst.at[0]], sbsem).wait()

    @pl.when(cid == 0)
    def _():
        half_phase(x0, 0, True)
        half_phase(x0, 1, False)

    @pl.when(cid == 1)
    def _():
        half_phase(x1, 0, False)
        half_phase(x1, 1, True)

    plsc.subcore_barrier()

    @pl.when(cid == 0)
    def _():
        pltpu.sync_copy(acc.at[sl2], agg0.at[sl2])
        pltpu.sync_copy(wacc.at[sl1], w0.at[sl1])

    @pl.when(cid == 1)
    def _():
        pltpu.sync_copy(acc.at[sl2], agg1.at[sl2])
        pltpu.sync_copy(wacc.at[sl1], w1.at[sl1])


@functools.cache
def _sc_scatter():
    return pl.kernel(
        _sc_scatter_body,
        out_type=[
            jax.ShapeDtypeStruct((NPAD2, 128), jnp.float32),
            jax.ShapeDtypeStruct((NPAD2, 128), jnp.float32),
            jax.ShapeDtypeStruct((NPAD1,), jnp.float32),
            jax.ShapeDtypeStruct((NPAD1,), jnp.float32),
        ],
        mesh=_mesh(),
        scratch_types=[
            pltpu.VMEM((HCPT, CHUNK), jnp.int32),
            pltpu.VMEM((HCPT, CHUNK), jnp.int32),
            pltpu.VMEM((CHUNK, 128), jnp.float32),
            pltpu.VMEM((CHUNK, 128), jnp.float32),
            pltpu.VMEM((HCPT, CHUNK), jnp.float32),
            pltpu.VMEM_SHARED((NPAD2, 128), jnp.float32),
            pltpu.VMEM_SHARED((NPAD1,), jnp.float32),
            pltpu.SemaphoreType.DMA,
            pltpu.SemaphoreType.DMA,
            pltpu.SemaphoreType.DMA,
            pltpu.SemaphoreType.DMA,
        ],
    )


def _tc_prep_body(dof, dif, feat, x0_out, x1_out, ns_out, nd_out):
    do = dof[...]
    di = dif[...]
    ns = jnp.where(do > 0.0, lax.rsqrt(jnp.maximum(do, 1.0)), 0.0)
    nd = jnp.where(di > 0.0, lax.rsqrt(jnp.maximum(di, 1.0)), 0.0)
    ns_out[...] = ns
    nd_out[...] = nd
    f = feat[...]
    x0_out[...] = f[:, :128] * ns
    x1_out[...] = f[:, 128:] * ns


_PREP_BLK = 1000


def _tc_prep(deg_o, deg_i, in_feat):
    grid = N // _PREP_BLK
    xspec = pl.BlockSpec((_PREP_BLK, 128), lambda i: (i, 0))
    xshape = jax.ShapeDtypeStruct((N, 128), jnp.float32)
    nspec = pl.BlockSpec((_PREP_BLK, 1), lambda i: (i, 0))
    return pl.pallas_call(
        _tc_prep_body,
        grid=(grid,),
        in_specs=[
            nspec,
            nspec,
            pl.BlockSpec((_PREP_BLK, D_IN), lambda i: (i, 0)),
        ],
        out_specs=[xspec, xspec, nspec, nspec],
        out_shape=[xshape, xshape,
                   jax.ShapeDtypeStruct((N, 1), jnp.float32),
                   jax.ShapeDtypeStruct((N, 1), jnp.float32)],
    )(deg_o, deg_i, in_feat)


def _tc_final_body(a0, a1, ndr, nsr, u0, u1,
                   wa, wb, b1r, w2r, b2r, out, pooled):
    i = pl.program_id(0)
    nd = ndr[...]
    h = jnp.dot(a0[...] * nd, wa[...], preferred_element_type=jnp.float32)
    h = h + jnp.dot(a1[...] * nd, wb[...], preferred_element_type=jnp.float32)
    h = jnp.maximum(h + b1r[...], 0.0)
    coef = (u0[...] + u1[...]) * nsr[...]
    part = jnp.sum(h * coef, axis=0, keepdims=True)

    @pl.when(i == 0)
    def _():
        pooled[...] = part

    @pl.when(i > 0)
    def _():
        pooled[...] += part

    @pl.when(i == pl.num_programs(0) - 1)
    def _():
        out[...] = (jnp.dot(pooled[...] * (1.0 / N), w2r[...],
                            preferred_element_type=jnp.float32) + b2r[...])


def _tc_final(a0, a1, nd2, ns2, u0, u1, wa, wb, b1r, w2r, b2r):
    grid = N // _PREP_BLK
    aspec = pl.BlockSpec((_PREP_BLK, 128), lambda i: (i, 0))
    nspec = pl.BlockSpec((_PREP_BLK, 1), lambda i: (i, 0))
    wspec = pl.BlockSpec((128, D_H), lambda i: (0, 0))
    return pl.pallas_call(
        _tc_final_body,
        grid=(grid,),
        in_specs=[
            aspec, aspec,
            nspec, nspec, nspec, nspec,
            wspec, wspec,
            pl.BlockSpec((1, D_H), lambda i: (0, 0)),
            pl.BlockSpec((D_H, D_OUT), lambda i: (0, 0)),
            pl.BlockSpec((1, D_OUT), lambda i: (0, 0)),
        ],
        out_specs=pl.BlockSpec((1, D_OUT), lambda i: (0, 0)),
        out_shape=jax.ShapeDtypeStruct((1, D_OUT), jnp.float32),
        scratch_shapes=[pltpu.VMEM((1, D_H), jnp.float32)],
    )(a0, a1, nd2, ns2, u0, u1, wa, wb, b1r, w2r, b2r)


def kernel(in_feat, edge_index, W1, b1, W2, b2):
    src = edge_index[0]
    dst = edge_index[1]
    pad = jnp.full((EPAD - E,), N, jnp.int32)
    srcp = jnp.concatenate([src, pad]).reshape(NCH, CHUNK)
    dstp = jnp.concatenate([dst, pad]).reshape(NCH, CHUNK)
    ones_h = jnp.ones((CHUNK,), jnp.float32)
    z1 = jnp.zeros((RPT1,), jnp.float32)
    z2 = jnp.zeros((RPT2, 128), jnp.float32)

    deg_o, deg_i = _sc_degrees()(srcp, dstp, ones_h, z1)
    x0r, x1r, ns2, nd2 = _tc_prep(deg_o[:N, None], deg_i[:N, None], in_feat)
    xpad = ((0, NXP - N), (0, 0))
    ndp = jnp.pad(nd2[:, 0], (0, NXP - N))
    agg0, agg1, w0, w1 = _sc_scatter()(
        srcp, dstp, jnp.pad(x0r, xpad), jnp.pad(x1r, xpad), ndp, z2, z1)
    out = _tc_final(agg0[:N], agg1[:N], nd2, ns2,
                    w0[:N, None], w1[:N, None],
                    W1[:128], W1[128:], b1[None], W2, b2[None])
    return out.reshape(D_OUT)

# --- scband reference (transcript-rebuilt; emitter-appended) ---
"""Pipeline reference for scband-gcn-58411555225951 (READ-ONLY COPY).

The authoritative reference and input builder live on the scoring server;
editing this copy changes nothing except your own understanding.
"""

import jax, jax.numpy as jnp
import numpy as np

N_NODES = 10000
N_EDGES = 160000
D_IN = 256
D_H = 512
D_OUT = 64


def setup_inputs(seed: int = 0) -> dict:
    key = jax.random.key(seed)
    k1, k2, k3, k4, k5, k6 = jax.random.split(key, 6)
    in_feat = jax.random.normal(k1, (N_NODES, D_IN), dtype=jnp.float32)
    edge_index = jax.random.randint(k2, (2, N_EDGES), 0, N_NODES, dtype=jnp.int32)
    W1 = jax.random.normal(k3, (D_IN, D_H), dtype=jnp.float32) * (1.0 / np.sqrt(D_IN))
    b1 = jnp.zeros((D_H,), dtype=jnp.float32)
    W2 = jax.random.normal(k4, (D_H, D_OUT), dtype=jnp.float32) * (1.0 / np.sqrt(D_H))
    b2 = jnp.zeros((D_OUT,), dtype=jnp.float32)
    return {"in_feat": in_feat, "edge_index": edge_index, "W1": W1, "b1": b1, "W2": W2, "b2": b2}


def _graph_conv(h, src, dst, norm_src, norm_dst, W, b):
    # DGL GraphConv with norm='both' (symmetric normalization), allow_zero_in_degree=True
    hs = h * norm_src[:, None]
    msg = jnp.take(hs, src, axis=0)                     # gather over source nodes
    agg = jax.ops.segment_sum(msg, dst, num_segments=N_NODES)  # scatter-add to dst
    agg = agg * norm_dst[:, None]
    return agg @ W + b


def reference(in_feat, edge_index, W1, b1, W2, b2):
    src = edge_index[0]
    dst = edge_index[1]
    ones = jnp.ones((N_EDGES,), dtype=jnp.float32)
    deg_out = jax.ops.segment_sum(ones, src, num_segments=N_NODES)
    deg_in = jax.ops.segment_sum(ones, dst, num_segments=N_NODES)
    # pow(deg, -0.5) with inf -> 0 (DGL convention for zero-degree nodes)
    norm_src = jnp.where(deg_out > 0, jax.lax.rsqrt(jnp.maximum(deg_out, 1.0)), 0.0)
    norm_dst = jnp.where(deg_in > 0, jax.lax.rsqrt(jnp.maximum(deg_in, 1.0)), 0.0)
    h = _graph_conv(in_feat, src, dst, norm_src, norm_dst, W1, b1)
    h = jax.nn.relu(h)
    h = _graph_conv(h, src, dst, norm_src, norm_dst, W2, b2)
    # dgl.mean_nodes over a single graph: mean over all nodes
    return jnp.mean(h, axis=0)

if __name__ == "__main__":
    import jax
    _d = setup_inputs()
    print(jax.jit(kernel)(*tuple(_d.values())))

</pallas_src>

<mosaic_0001>
#map = affine_map<(d0, d1) -> (0, 0)>
#map1 = affine_map<(d0, d1) -> (0)>
module attributes {stable_mosaic.version = 14 : i64} {
  func.func @_sc_degrees_body(%arg0: i32, %arg1: i32, %arg2: memref<1280x128xi32, #tpu.memory_space<hbm>>, %arg3: memref<1280x128xi32, #tpu.memory_space<hbm>>, %arg4: memref<128xf32, #tpu.memory_space<hbm>>, %arg5: memref<640xf32, #tpu.memory_space<hbm>>, %arg6: memref<10240xf32, #tpu.memory_space<hbm>>, %arg7: memref<10240xf32, #tpu.memory_space<hbm>>, %arg8: memref<80x128xi32, #tpu.memory_space<vmem>>, %arg9: memref<128xf32, #tpu.memory_space<vmem>>, %arg10: memref<10240xf32, #tpu.memory_space<vmem_shared>>, %arg11: memref<!tpu.dma_semaphore, #tpu.memory_space<semaphore_mem>>) attributes {dimension_semantics = [#tpu.dimension_semantics<core_parallel>, #tpu.dimension_semantics<subcore_parallel>], iteration_bounds = array<i64: 2, 16>, scalar_prefetch = 0 : i64, scratch_operands = 4 : i64, tpu.core_type = #tpu.core_type<sc_vector_subcore>, window_params = [{transform_indices = #map}, {transform_indices = #map}, {transform_indices = #map1}, {transform_indices = #map1}, {transform_indices = #map1}, {transform_indices = #map1}]} {
    tpu.enqueue_dma source(%arg4 : memref<128xf32, #tpu.memory_space<hbm>>) target(%arg9 : memref<128xf32, #tpu.memory_space<vmem>>) target_semaphore(%arg11 : memref<!tpu.dma_semaphore, #tpu.memory_space<semaphore_mem>>)
    %mul3A = arith.constant 640 : i32
    %mul3A_0 = arith.muli %arg1, %mul3A : i32
    %dma_start3A = tpu.memref_slice %arg10[%mul3A_0] : memref<10240xf32, #tpu.memory_space<vmem_shared>> -> memref<640xf32, #tpu.memory_space<vmem_shared>>
    tpu.enqueue_dma source(%arg5 : memref<640xf32, #tpu.memory_space<hbm>>) target(%dma_start3A : memref<640xf32, #tpu.memory_space<vmem_shared>>) target_semaphore(%arg11 : memref<!tpu.dma_semaphore, #tpu.memory_space<semaphore_mem>>)
    %eq3A = arith.constant 0 : i32
    %eq3A_1 = arith.cmpi eq, %arg0, %eq3A : i32
    %convert_element_type3A = arith.extui %eq3A_1 : i1 to i32
    %cond3A = arith.constant 0 : i32
    %cond3A_2 = arith.cmpi ne, %convert_element_type3A, %cond3A : i32
    scf.if %cond3A_2 {
      %mul3A_32 = arith.constant 80 : i32
      %mul3A_33 = arith.muli %arg1, %mul3A_32 : i32
      "tpu.region"() ({
        %run_scoped3A = tpu.sem_alloc : memref<!tpu.dma_semaphore, #tpu.memory_space<semaphore_mem>>
        %dma_start3A_34 = arith.constant 0 : i32
        %dma_start3A_35 = tpu.memref_slice %arg2[%mul3A_33, %dma_start3A_34] : memref<1280x128xi32, #tpu.memory_space<hbm>> -> memref<80x128xi32, #tpu.memory_space<hbm>>
        %dma_start3A_36 = arith.constant 0 : i32
        %dma_start3A_37 = tpu.memref_slice %arg2[%mul3A_33, %dma_start3A_36] : memref<1280x128xi32, #tpu.memory_space<hbm>> -> memref<80x128xi32, #tpu.memory_space<hbm>>
        tpu.enqueue_dma source(%dma_start3A_37 : memref<80x128xi32, #tpu.memory_space<hbm>>) target(%arg8 : memref<80x128xi32, #tpu.memory_space<vmem>>) target_semaphore(%run_scoped3A : memref<!tpu.dma_semaphore, #tpu.memory_space<semaphore_mem>>)
        %dma_wait3A_38 = arith.constant 0 : i32
        %dma_wait3A_39 = tpu.memref_slice %arg2[%mul3A_33, %dma_wait3A_38] : memref<1280x128xi32, #tpu.memory_space<hbm>> -> memref<80x128xi32, #tpu.memory_space<hbm>>
        %dma_wait3A_40 = arith.constant 0 : i32
        %dma_wait3A_41 = tpu.memref_slice %arg2[%mul3A_33, %dma_wait3A_40] : memref<1280x128xi32, #tpu.memory_space<hbm>> -> memref<80x128xi32, #tpu.memory_space<hbm>>
        tpu.wait_dma2 semaphore(%run_scoped3A : memref<!tpu.dma_semaphore, #tpu.memory_space<semaphore_mem>>) src(%dma_wait3A_41 : memref<80x128xi32, #tpu.memory_space<hbm>>) dst(%arg8 : memref<80x128xi32, #tpu.memory_space<vmem>>)
        tpu.yield
      }) : () -> ()
    } else {
    }
    %eq3A_3 = arith.constant 1 : i32
    %eq3A_4 = arith.cmpi eq, %arg0, %eq3A_3 : i32
    %convert_element_type3A_5 = arith.extui %eq3A_4 : i1 to i32
    %cond3A_6 = arith.constant 0 : i32
    %cond3A_7 = arith.cmpi ne, %convert_element_type3A_5, %cond3A_6 : i32
    scf.if %cond3A_7 {
      %mul3A_32 = arith.constant 80 : i32
      %mul3A_33 = arith.muli %arg1, %mul3A_32 : i32
      "tpu.region"() ({
        %run_scoped3A = tpu.sem_alloc : memref<!tpu.dma_semaphore, #tpu.memory_space<semaphore_mem>>
        %dma_start3A_34 = arith.constant 0 : i32
        %dma_start3A_35 = tpu.memref_slice %arg3[%mul3A_33, %dma_start3A_34] : memref<1280x128xi32, #tpu.memory_space<hbm>> -> memref<80x128xi32, #tpu.memory_space<hbm>>
        %dma_start3A_36 = arith.constant 0 : i32
        %dma_start3A_37 = tpu.memref_slice %arg3[%mul3A_33, %dma_start3A_36] : memref<1280x128xi32, #tpu.memory_space<hbm>> -> memref<80x128xi32, #tpu.memory_space<hbm>>
        tpu.enqueue_dma source(%dma_start3A_37 : memref<80x128xi32, #tpu.memory_space<hbm>>) target(%arg8 : memref<80x128xi32, #tpu.memory_space<vmem>>) target_semaphore(%run_scoped3A : memref<!tpu.dma_semaphore, #tpu.memory_space<semaphore_mem>>)
        %dma_wait3A_38 = arith.constant 0 : i32
        %dma_wait3A_39 = tpu.memref_slice %arg3[%mul3A_33, %dma_wait3A_38] : memref<1280x128xi32, #tpu.memory_space<hbm>> -> memref<80x128xi32, #tpu.memory_space<hbm>>
        %dma_wait3A_40 = arith.constant 0 : i32
        %dma_wait3A_41 = tpu.memref_slice %arg3[%mul3A_33, %dma_wait3A_40] : memref<1280x128xi32, #tpu.memory_space<hbm>> -> memref<80x128xi32, #tpu.memory_space<hbm>>
        tpu.wait_dma2 semaphore(%run_scoped3A : memref<!tpu.dma_semaphore, #tpu.memory_space<semaphore_mem>>) src(%dma_wait3A_41 : memref<80x128xi32, #tpu.memory_space<hbm>>) dst(%arg8 : memref<80x128xi32, #tpu.memory_space<vmem>>)
        tpu.yield
      }) : () -> ()
    } else {
    }
    tpu.wait_dma2 semaphore(%arg11 : memref<!tpu.dma_semaphore, #tpu.memory_space<semaphore_mem>>) src(%arg4 : memref<128xf32, #tpu.memory_space<hbm>>) dst(%arg9 : memref<128xf32, #tpu.memory_space<vmem>>)
    %dma_wait3A = tpu.memref_slice %arg10[%mul3A_0] : memref<10240xf32, #tpu.memory_space<vmem_shared>> -> memref<640xf32, #tpu.memory_space<vmem_shared>>
    tpu.wait_dma2 semaphore(%arg11 : memref<!tpu.dma_semaphore, #tpu.memory_space<semaphore_mem>>) src(%arg5 : memref<640xf32, #tpu.memory_space<hbm>>) dst(%dma_wait3A : memref<640xf32, #tpu.memory_space<vmem_shared>>)
    %barrier3A = arith.constant 0 : index
    tpu.barrier barrier_id(%barrier3A)
    %scan3A = arith.constant 0 : i32
    %scan3A_8 = arith.constant 0 : i32
    %scan3A_9 = arith.constant 80 : i32
    %scan3A_10 = arith.addi %scan3A_8, %scan3A_9 : i32
    %scan3A_11 = arith.constant 1 : i32
    scf.for %scan3A_32 = %scan3A_8 to %scan3A_10 step %scan3A_11  : i32 {
      %dma_start3A_33 = arith.constant 0 : i32
      %dma_start3A_34 = tpu.memref_slice %arg8[%scan3A_32, %dma_start3A_33] : memref<80x128xi32, #tpu.memory_space<vmem>> -> memref<1x128xi32, #tpu.memory_space<vmem>>
      %dma_start3A_35 = tpu.memref_squeeze %dma_start3A_34 : memref<1x128xi32, #tpu.memory_space<vmem>> -> memref<128xi32, #tpu.memory_space<vmem>>
      %dma_start3A_36 = arith.constant 0 : i32
      %dma_start3A_37 = tpu.memref_slice %arg10[%dma_start3A_36] : memref<10240xf32, #tpu.memory_space<vmem_shared>> -> memref<10240xf32, #tpu.memory_space<vmem_shared>>
      tpu.enqueue_indirect_dma source(%arg9 : memref<128xf32, #tpu.memory_space<vmem>>) target(%dma_start3A_37 : memref<10240xf32, #tpu.memory_space<vmem_shared>>) offsets(%dma_start3A_35 : memref<128xi32, #tpu.memory_space<vmem>>) semaphore(%arg11 : memref<!tpu.dma_semaphore, #tpu.memory_space<semaphore_mem>>) {add = true}
    }
    %scan3A_12 = arith.constant 80 : i32
    %scan3A_13 = arith.constant 0 : i32
    %scan3A_14 = arith.constant 0 : i32
    %scan3A_15 = arith.constant 80 : i32
    %scan3A_16 = arith.addi %scan3A_14, %scan3A_15 : i32
    %scan3A_17 = arith.constant 1 : i32
    scf.for %scan3A_32 = %scan3A_14 to %scan3A_16 step %scan3A_17  : i32 {
      %dma_wait3A_33 = arith.constant 0 : i32
      %dma_wait3A_34 = arith.constant 0 : i32
      %dma_wait3A_35 = tpu.memref_slice %arg8[%dma_wait3A_33, %dma_wait3A_34] : memref<80x128xi32, #tpu.memory_space<vmem>> -> memref<1x128xi32, #tpu.memory_space<vmem>>
      %dma_wait3A_36 = tpu.memref_squeeze %dma_wait3A_35 : memref<1x128xi32, #tpu.memory_space<vmem>> -> memref<128xi32, #tpu.memory_space<vmem>>
      %dma_wait3A_37 = arith.constant 0 : i32
      %dma_wait3A_38 = tpu.memref_slice %arg10[%dma_wait3A_37] : memref<10240xf32, #tpu.memory_space<vmem_shared>> -> memref<10240xf32, #tpu.memory_space<vmem_shared>>
      tpu.wait_indirect_dma semaphore(%arg11 : memref<!tpu.dma_semaphore, #tpu.memory_space<semaphore_mem>>) src(%arg9 : memref<128xf32, #tpu.memory_space<vmem>>) dst(%dma_wait3A_38 : memref<10240xf32, #tpu.memory_space<vmem_shared>>)
    }
    %scan3A_18 = arith.constant 80 : i32
    %barrier3A_19 = arith.constant 0 : index
    tpu.barrier barrier_id(%barrier3A_19)
    %mul3A_20 = arith.constant 640 : i32
    %mul3A_21 = arith.muli %arg1, %mul3A_20 : i32
    %eq3A_22 = arith.constant 0 : i32
    %eq3A_23 = arith.cmpi eq, %arg0, %eq3A_22 : i32
    %convert_element_type3A_24 = arith.extui %eq3A_23 : i1 to i32
    %cond3A_25 = arith.constant 0 : i32
    %cond3A_26 = arith.cmpi ne, %convert_element_type3A_24, %cond3A_25 : i32
    scf.if %cond3A_26 {
      "tpu.region"() ({
        %run_scoped3A = tpu.sem_alloc : memref<!tpu.dma_semaphore, #tpu.memory_space<semaphore_mem>>
        %dma_start3A_32 = tpu.memref_slice %arg6[%mul3A_21] : memref<10240xf32, #tpu.memory_space<hbm>> -> memref<640xf32, #tpu.memory_space<hbm>>
        %dma_start3A_33 = tpu.memref_slice %arg10[%mul3A_21] : memref<10240xf32, #tpu.memory_space<vmem_shared>> -> memref<640xf32, #tpu.memory_space<vmem_shared>>
        tpu.enqueue_dma source(%dma_start3A_33 : memref<640xf32, #tpu.memory_space<vmem_shared>>) target(%dma_start3A_32 : memref<640xf32, #tpu.memory_space<hbm>>) target_semaphore(%run_scoped3A : memref<!tpu.dma_semaphore, #tpu.memory_space<semaphore_mem>>)
        %dma_wait3A_34 = tpu.memref_slice %arg6[%mul3A_21] : memref<10240xf32, #tpu.memory_space<hbm>> -> memref<640xf32, #tpu.memory_space<hbm>>
        %dma_wait3A_35 = tpu.memref_slice %arg10[%mul3A_21] : memref<10240xf32, #tpu.memory_space<vmem_shared>> -> memref<640xf32, #tpu.memory_space<vmem_shared>>
        tpu.wait_dma2 semaphore(%run_scoped3A : memref<!tpu.dma_semaphore, #tpu.memory_space<semaphore_mem>>) src(%dma_wait3A_35 : memref<640xf32, #tpu.memory_space<vmem_shared>>) dst(%dma_wait3A_34 : memref<640xf32, #tpu.memory_space<hbm>>)
        tpu.yield
      }) : () -> ()
    } else {
    }
    %eq3A_27 = arith.constant 1 : i32
    %eq3A_28 = arith.cmpi eq, %arg0, %eq3A_27 : i32
    %convert_element_type3A_29 = arith.extui %eq3A_28 : i1 to i32
    %cond3A_30 = arith.constant 0 : i32
    %cond3A_31 = arith.cmpi ne, %convert_element_type3A_29, %cond3A_30 : i32
    scf.if %cond3A_31 {
      "tpu.region"() ({
        %run_scoped3A = tpu.sem_alloc : memref<!tpu.dma_semaphore, #tpu.memory_space<semaphore_mem>>
        %dma_start3A_32 = tpu.memref_slice %arg7[%mul3A_21] : memref<10240xf32, #tpu.memory_space<hbm>> -> memref<640xf32, #tpu.memory_space<hbm>>
        %dma_start3A_33 = tpu.memref_slice %arg10[%mul3A_21] : memref<10240xf32, #tpu.memory_space<vmem_shared>> -> memref<640xf32, #tpu.memory_space<vmem_shared>>
        tpu.enqueue_dma source(%dma_start3A_33 : memref<640xf32, #tpu.memory_space<vmem_shared>>) target(%dma_start3A_32 : memref<640xf32, #tpu.memory_space<hbm>>) target_semaphore(%run_scoped3A : memref<!tpu.dma_semaphore, #tpu.memory_space<semaphore_mem>>)
        %dma_wait3A_34 = tpu.memref_slice %arg7[%mul3A_21] : memref<10240xf32, #tpu.memory_space<hbm>> -> memref<640xf32, #tpu.memory_space<hbm>>
        %dma_wait3A_35 = tpu.memref_slice %arg10[%mul3A_21] : memref<10240xf32, #tpu.memory_space<vmem_shared>> -> memref<640xf32, #tpu.memory_space<vmem_shared>>
        tpu.wait_dma2 semaphore(%run_scoped3A : memref<!tpu.dma_semaphore, #tpu.memory_space<semaphore_mem>>) src(%dma_wait3A_35 : memref<640xf32, #tpu.memory_space<vmem_shared>>) dst(%dma_wait3A_34 : memref<640xf32, #tpu.memory_space<hbm>>)
        tpu.yield
      }) : () -> ()
    } else {
    }
    return
  }
}

#map = affine_map<(d0, d1) -> (0, 0)>
#map1 = affine_map<(d0, d1) -> (0)>
module attributes {stable_mosaic.version = 14 : i64} {
  func.func @_sc_scatter_body(%arg0: i32, %arg1: i32, %arg2: memref<1280x128xi32, #tpu.memory_space<hbm>>, %arg3: memref<1280x128xi32, #tpu.memory_space<hbm>>, %arg4: memref<10016x128xf32, #tpu.memory_space<hbm>>, %arg5: memref<10016x128xf32, #tpu.memory_space<hbm>>, %arg6: memref<10016xf32, #tpu.memory_space<hbm>>, %arg7: memref<632x128xf32, #tpu.memory_space<hbm>>, %arg8: memref<640xf32, #tpu.memory_space<hbm>>, %arg9: memref<10112x128xf32, #tpu.memory_space<hbm>>, %arg10: memref<10112x128xf32, #tpu.memory_space<hbm>>, %arg11: memref<10240xf32, #tpu.memory_space<hbm>>, %arg12: memref<10240xf32, #tpu.memory_space<hbm>>, %arg13: memref<40x128xi32, #tpu.memory_space<vmem>>, %arg14: memref<40x128xi32, #tpu.memory_space<vmem>>, %arg15: memref<128x128xf32, #tpu.memory_space<vmem>>, %arg16: memref<128x128xf32, #tpu.memory_space<vmem>>, %arg17: memref<40x128xf32, #tpu.memory_space<vmem>>, %arg18: memref<10112x128xf32, #tpu.memory_space<vmem_shared>>, %arg19: memref<10240xf32, #tpu.memory_space<vmem_shared>>, %arg20: memref<!tpu.dma_semaphore, #tpu.memory_space<semaphore_mem>>, %arg21: memref<!tpu.dma_semaphore, #tpu.memory_space<semaphore_mem>>, %arg22: memref<!tpu.dma_semaphore, #tpu.memory_space<semaphore_mem>>, %arg23: memref<!tpu.dma_semaphore, #tpu.memory_space<semaphore_mem>>) attributes {dimension_semantics = [#tpu.dimension_semantics<core_parallel>, #tpu.dimension_semantics<subcore_parallel>], iteration_bounds = array<i64: 2, 16>, scalar_prefetch = 0 : i64, scratch_operands = 11 : i64, tpu.core_type = #tpu.core_type<sc_vector_subcore>, window_params = [{transform_indices = #map}, {transform_indices = #map}, {transform_indices = #map}, {transform_indices = #map}, {transform_indices = #map1}, {transform_indices = #map}, {transform_indices = #map1}, {transform_indices = #map}, {transform_indices = #map}, {transform_indices = #map1}, {transform_indices = #map1}]} {
    %mul3A = arith.constant 632 : i32
    %mul3A_0 = arith.muli %arg1, %mul3A : i32
    %mul3A_1 = arith.constant 640 : i32
    %mul3A_2 = arith.muli %arg1, %mul3A_1 : i32
    "tpu.region"() ({
      %run_scoped3A = tpu.sem_alloc : memref<!tpu.dma_semaphore, #tpu.memory_space<semaphore_mem>>
      %dma_start3A = arith.constant 0 : i32
      %dma_start3A_21 = tpu.memref_slice %arg18[%mul3A_0, %dma_start3A] : memref<10112x128xf32, #tpu.memory_space<vmem_shared>> -> memref<632x128xf32, #tpu.memory_space<vmem_shared>>
      tpu.enqueue_dma source(%arg7 : memref<632x128xf32, #tpu.memory_space<hbm>>) target(%dma_start3A_21 : memref<632x128xf32, #tpu.memory_space<vmem_shared>>) target_semaphore(%run_scoped3A : memref<!tpu.dma_semaphore, #tpu.memory_space<semaphore_mem>>)
      %dma_wait3A = arith.constant 0 : i32
      %dma_wait3A_22 = tpu.memref_slice %arg18[%mul3A_0, %dma_wait3A] : memref<10112x128xf32, #tpu.memory_space<vmem_shared>> -> memref<632x128xf32, #tpu.memory_space<vmem_shared>>
      tpu.wait_dma2 semaphore(%run_scoped3A : memref<!tpu.dma_semaphore, #tpu.memory_space<semaphore_mem>>) src(%arg7 : memref<632x128xf32, #tpu.memory_space<hbm>>) dst(%dma_wait3A_22 : memref<632x128xf32, #tpu.memory_space<vmem_shared>>)
      tpu.yield
    }) : () -> ()
    "tpu.region"() ({
      %run_scoped3A = tpu.sem_alloc : memref<!tpu.dma_semaphore, #tpu.memory_space<semaphore_mem>>
      %dma_start3A = tpu.memref_slice %arg19[%mul3A_2] : memref<10240xf32, #tpu.memory_space<vmem_shared>> -> memref<640xf32, #tpu.memory_space<vmem_shared>>
      tpu.enqueue_dma source(%arg8 : memref<640xf32, #tpu.memory_space<hbm>>) target(%dma_start3A : memref<640xf32, #tpu.memory_space<vmem_shared>>) target_semaphore(%run_scoped3A : memref<!tpu.dma_semaphore, #tpu.memory_space<semaphore_mem>>)
      %dma_wait3A = tpu.memref_slice %arg19[%mul3A_2] : memref<10240xf32, #tpu.memory_space<vmem_shared>> -> memref<640xf32, #tpu.memory_space<vmem_shared>>
      tpu.wait_dma2 semaphore(%run_scoped3A : memref<!tpu.dma_semaphore, #tpu.memory_space<semaphore_mem>>) src(%arg8 : memref<640xf32, #tpu.memory_space<hbm>>) dst(%dma_wait3A : memref<640xf32, #tpu.memory_space<vmem_shared>>)
      tpu.yield
    }) : () -> ()
    %barrier3A = arith.constant 0 : index
    tpu.barrier barrier_id(%barrier3A)
    %eq3A = arith.constant 0 : i32
    %eq3A_3 = arith.cmpi eq, %arg0, %eq3A : i32
    %convert_element_type3A = arith.extui %eq3A_3 : i1 to i32
    %cond3A = arith.constant 0 : i32
    %cond3A_4 = arith.cmpi ne, %convert_element_type3A, %cond3A : i32
    scf.if %cond3A_4 {
      %mul3A_21 = arith.constant 80 : i32
      %mul3A_22 = arith.muli %arg1, %mul3A_21 : i32
      %add3A = arith.constant 0 : i32
      %add3A_23 = arith.addi %mul3A_22, %add3A : i32
      %dma_start3A = arith.constant 0 : i32
      %dma_start3A_24 = tpu.memref_slice %arg2[%add3A_23, %dma_start3A] : memref<1280x128xi32, #tpu.memory_space<hbm>> -> memref<40x128xi32, #tpu.memory_space<hbm>>
      %dma_start3A_25 = arith.constant 0 : i32
      %dma_start3A_26 = tpu.memref_slice %arg2[%add3A_23, %dma_start3A_25] : memref<1280x128xi32, #tpu.memory_space<hbm>> -> memref<40x128xi32, #tpu.memory_space<hbm>>
      tpu.enqueue_dma source(%dma_start3A_26 : memref<40x128xi32, #tpu.memory_space<hbm>>) target(%arg13 : memref<40x128xi32, #tpu.memory_space<vmem>>) target_semaphore(%arg20 : memref<!tpu.dma_semaphore, #tpu.memory_space<semaphore_mem>>)
      %mul3A_27 = arith.constant 80 : i32
      %mul3A_28 = arith.muli %arg1, %mul3A_27 : i32
      %add3A_29 = arith.constant 0 : i32
      %add3A_30 = arith.addi %mul3A_28, %add3A_29 : i32
      %dma_start3A_31 = arith.constant 0 : i32
      %dma_start3A_32 = tpu.memref_slice %arg3[%add3A_30, %dma_start3A_31] : memref<1280x128xi32, #tpu.memory_space<hbm>> -> memref<40x128xi32, #tpu.memory_space<hbm>>
      %dma_start3A_33 = arith.constant 0 : i32
      %dma_start3A_34 = tpu.memref_slice %arg3[%add3A_30, %dma_start3A_33] : memref<1280x128xi32, #tpu.memory_space<hbm>> -> memref<40x128xi32, #tpu.memory_space<hbm>>
      tpu.enqueue_dma source(%dma_start3A_34 : memref<40x128xi32, #tpu.memory_space<hbm>>) target(%arg14 : memref<40x128xi32, #tpu.memory_space<vmem>>) target_semaphore(%arg20 : memref<!tpu.dma_semaphore, #tpu.memory_space<semaphore_mem>>)
      %dma_wait3A = arith.constant 0 : i32
      %dma_wait3A_35 = tpu.memref_slice %arg2[%add3A_23, %dma_wait3A] : memref<1280x128xi32, #tpu.memory_space<hbm>> -> memref<40x128xi32, #tpu.memory_space<hbm>>
      %dma_wait3A_36 = arith.constant 0 : i32
      %dma_wait3A_37 = tpu.memref_slice %arg2[%add3A_23, %dma_wait3A_36] : memref<1280x128xi32, #tpu.memory_space<hbm>> -> memref<40x128xi32, #tpu.memory_space<hbm>>
      tpu.wait_dma2 semaphore(%arg20 : memref<!tpu.dma_semaphore, #tpu.memory_space<semaphore_mem>>) src(%dma_wait3A_37 : memref<40x128xi32, #tpu.memory_space<hbm>>) dst(%arg13 : memref<40x128xi32, #tpu.memory_space<vmem>>)
      %dma_wait3A_38 = arith.constant 0 : i32
      %dma_wait3A_39 = tpu.memref_slice %arg3[%add3A_30, %dma_wait3A_38] : memref<1280x128xi32, #tpu.memory_space<hbm>> -> memref<40x128xi32, #tpu.memory_space<hbm>>
      %dma_wait3A_40 = arith.constant 0 : i32
      %dma_wait3A_41 = tpu.memref_slice %arg3[%add3A_30, %dma_wait3A_40] : memref<1280x128xi32, #tpu.memory_space<hbm>> -> memref<40x128xi32, #tpu.memory_space<hbm>>
      tpu.wait_dma2 semaphore(%arg20 : memref<!tpu.dma_semaphore, #tpu.memory_space<semaphore_mem>>) src(%dma_wait3A_41 : memref<40x128xi32, #tpu.memory_space<hbm>>) dst(%arg14 : memref<40x128xi32, #tpu.memory_space<vmem>>)
      %scan3A = arith.constant 0 : i32
      %scan3A_42 = arith.constant 0 : i32
      %scan3A_43 = arith.constant 40 : i32
      %scan3A_44 = arith.addi %scan3A_42, %scan3A_43 : i32
      %scan3A_45 = arith.constant 1 : i32
      scf.for %scan3A_129 = %scan3A_42 to %scan3A_44 step %scan3A_45  : i32 {
        %dma_start3A_130 = arith.constant 0 : i32
        %dma_start3A_131 = tpu.memref_slice %arg17[%scan3A_129, %dma_start3A_130] : memref<40x128xf32, #tpu.memory_space<vmem>> -> memref<1x128xf32, #tpu.memory_space<vmem>>
        %dma_start3A_132 = tpu.memref_squeeze %dma_start3A_131 : memref<1x128xf32, #tpu.memory_space<vmem>> -> memref<128xf32, #tpu.memory_space<vmem>>
        %dma_start3A_133 = arith.constant 0 : i32
        %dma_start3A_134 = tpu.memref_slice %arg14[%scan3A_129, %dma_start3A_133] : memref<40x128xi32, #tpu.memory_space<vmem>> -> memref<1x128xi32, #tpu.memory_space<vmem>>
        %dma_start3A_135 = tpu.memref_squeeze %dma_start3A_134 : memref<1x128xi32, #tpu.memory_space<vmem>> -> memref<128xi32, #tpu.memory_space<vmem>>
        %dma_start3A_136 = arith.constant 0 : i32
        %dma_start3A_137 = tpu.memref_slice %arg6[%dma_start3A_136] : memref<10016xf32, #tpu.memory_space<hbm>> -> memref<10016xf32, #tpu.memory_space<hbm>>
        tpu.enqueue_indirect_dma source(%dma_start3A_137 : memref<10016xf32, #tpu.memory_space<hbm>>) target(%dma_start3A_132 : memref<128xf32, #tpu.memory_space<vmem>>) offsets(%dma_start3A_135 : memref<128xi32, #tpu.memory_space<vmem>>) semaphore(%arg23 : memref<!tpu.dma_semaphore, #tpu.memory_space<semaphore_mem>>)
      }
      %scan3A_46 = arith.constant 40 : i32
      %scan3A_47 = arith.constant 0 : i32
      %scan3A_48 = arith.constant 0 : i32
      %scan3A_49 = arith.constant 20 : i32
      %scan3A_50 = arith.addi %scan3A_48, %scan3A_49 : i32
      %scan3A_51 = arith.constant 1 : i32
      scf.for %scan3A_129 = %scan3A_48 to %scan3A_50 step %scan3A_51  : i32 {
        %mul3A_130 = arith.constant 2 : i32
        %mul3A_131 = arith.muli %mul3A_130, %scan3A_129 : i32
        %add3A_132 = arith.constant 0 : i32
        %add3A_133 = arith.addi %mul3A_131, %add3A_132 : i32
        %ge3A = arith.constant 1 : i32
        %ge3A_134 = arith.cmpi sge, %scan3A_129, %ge3A : i32
        %convert_element_type3A_135 = arith.extui %ge3A_134 : i1 to i32
        %cond3A_136 = arith.constant 0 : i32
        %cond3A_137 = arith.cmpi ne, %convert_element_type3A_135, %cond3A_136 : i32
        scf.if %cond3A_137 {
          %dma_wait3A_183 = arith.constant 0 : i32
          %dma_wait3A_184 = arith.constant 0 : i32
          %dma_wait3A_185 = tpu.memref_slice %arg14[%dma_wait3A_183, %dma_wait3A_184] : memref<40x128xi32, #tpu.memory_space<vmem>> -> memref<1x128xi32, #tpu.memory_space<vmem>>
          %dma_wait3A_186 = tpu.memref_squeeze %dma_wait3A_185 : memref<1x128xi32, #tpu.memory_space<vmem>> -> memref<128xi32, #tpu.memory_space<vmem>>
          %dma_wait3A_187 = arith.constant 0 : i32
          %dma_wait3A_188 = arith.constant 0 : i32
          %dma_wait3A_189 = tpu.memref_slice %arg18[%dma_wait3A_187, %dma_wait3A_188] : memref<10112x128xf32, #tpu.memory_space<vmem_shared>> -> memref<10112x128xf32, #tpu.memory_space<vmem_shared>>
          tpu.wait_indirect_dma semaphore(%arg21 : memref<!tpu.dma_semaphore, #tpu.memory_space<semaphore_mem>>) src(%arg15 : memref<128x128xf32, #tpu.memory_space<vmem>>) dst(%dma_wait3A_189 : memref<10112x128xf32, #tpu.memory_space<vmem_shared>>)
        } else {
        }
        %dma_start3A_138 = arith.constant 0 : i32
        %dma_start3A_139 = tpu.memref_slice %arg13[%add3A_133, %dma_start3A_138] : memref<40x128xi32, #tpu.memory_space<vmem>> -> memref<1x128xi32, #tpu.memory_space<vmem>>
        %dma_start3A_140 = tpu.memref_squeeze %dma_start3A_139 : memref<1x128xi32, #tpu.memory_space<vmem>> -> memref<128xi32, #tpu.memory_space<vmem>>
        %dma_start3A_141 = arith.constant 0 : i32
        %dma_start3A_142 = arith.constant 0 : i32
        %dma_start3A_143 = tpu.memref_slice %arg4[%dma_start3A_141, %dma_start3A_142] : memref<10016x128xf32, #tpu.memory_space<hbm>> -> memref<10016x128xf32, #tpu.memory_space<hbm>>
        tpu.enqueue_indirect_dma source(%dma_start3A_143 : memref<10016x128xf32, #tpu.memory_space<hbm>>) target(%arg15 : memref<128x128xf32, #tpu.memory_space<vmem>>) offsets(%dma_start3A_140 : memref<128xi32, #tpu.memory_space<vmem>>) semaphore(%arg20 : memref<!tpu.dma_semaphore, #tpu.memory_space<semaphore_mem>>)
        %dma_wait3A_144 = arith.constant 0 : i32
        %dma_wait3A_145 = tpu.memref_slice %arg13[%add3A_133, %dma_wait3A_144] : memref<40x128xi32, #tpu.memory_space<vmem>> -> memref<1x128xi32, #tpu.memory_space<vmem>>
        %dma_wait3A_146 = tpu.memref_squeeze %dma_wait3A_145 : memref<1x128xi32, #tpu.memory_space<vmem>> -> memref<128xi32, #tpu.memory_space<vmem>>
        %dma_wait3A_147 = arith.constant 0 : i32
        %dma_wait3A_148 = arith.constant 0 : i32
        %dma_wait3A_149 = tpu.memref_slice %arg4[%dma_wait3A_147, %dma_wait3A_148] : memref<10016x128xf32, #tpu.memory_space<hbm>> -> memref<10016x128xf32, #tpu.memory_space<hbm>>
        tpu.wait_indirect_dma semaphore(%arg20 : memref<!tpu.dma_semaphore, #tpu.memory_space<semaphore_mem>>) src(%dma_wait3A_149 : memref<10016x128xf32, #tpu.memory_space<hbm>>) dst(%arg15 : memref<128x128xf32, #tpu.memory_space<vmem>>)
        %dma_start3A_150 = arith.constant 0 : i32
        %dma_start3A_151 = tpu.memref_slice %arg14[%add3A_133, %dma_start3A_150] : memref<40x128xi32, #tpu.memory_space<vmem>> -> memref<1x128xi32, #tpu.memory_space<vmem>>
        %dma_start3A_152 = tpu.memref_squeeze %dma_start3A_151 : memref<1x128xi32, #tpu.memory_space<vmem>> -> memref<128xi32, #tpu.memory_space<vmem>>
        %dma_start3A_153 = arith.constant 0 : i32
        %dma_start3A_154 = arith.constant 0 : i32
        %dma_start3A_155 = tpu.memref_slice %arg18[%dma_start3A_153, %dma_start3A_154] : memref<10112x128xf32, #tpu.memory_space<vmem_shared>> -> memref<10112x128xf32, #tpu.memory_space<vmem_shared>>
        tpu.enqueue_indirect_dma source(%arg15 : memref<128x128xf32, #tpu.memory_space<vmem>>) target(%dma_start3A_155 : memref<10112x128xf32, #tpu.memory_space<vmem_shared>>) offsets(%dma_start3A_152 : memref<128xi32, #tpu.memory_space<vmem>>) semaphore(%arg21 : memref<!tpu.dma_semaphore, #tpu.memory_space<semaphore_mem>>) {add = true}
        %mul3A_156 = arith.constant 2 : i32
        %mul3A_157 = arith.muli %mul3A_156, %scan3A_129 : i32
        %add3A_158 = arith.constant 1 : i32
        %add3A_159 = arith.addi %mul3A_157, %add3A_158 : i32
        %ge3A_160 = arith.constant 1 : i32
        %ge3A_161 = arith.cmpi sge, %scan3A_129, %ge3A_160 : i32
        %convert_element_type3A_162 = arith.extui %ge3A_161 : i1 to i32
        %cond3A_163 = arith.constant 0 : i32
        %cond3A_164 = arith.cmpi ne, %convert_element_type3A_162, %cond3A_163 : i32
        scf.if %cond3A_164 {
          %dma_wait3A_183 = arith.constant 0 : i32
          %dma_wait3A_184 = arith.constant 0 : i32
          %dma_wait3A_185 = tpu.memref_slice %arg14[%dma_wait3A_183, %dma_wait3A_184] : memref<40x128xi32, #tpu.memory_space<vmem>> -> memref<1x128xi32, #tpu.memory_space<vmem>>
          %dma_wait3A_186 = tpu.memref_squeeze %dma_wait3A_185 : memref<1x128xi32, #tpu.memory_space<vmem>> -> memref<128xi32, #tpu.memory_space<vmem>>
          %dma_wait3A_187 = arith.constant 0 : i32
          %dma_wait3A_188 = arith.constant 0 : i32
          %dma_wait3A_189 = tpu.memref_slice %arg18[%dma_wait3A_187, %dma_wait3A_188] : memref<10112x128xf32, #tpu.memory_space<vmem_shared>> -> memref<10112x128xf32, #tpu.memory_space<vmem_shared>>
          tpu.wait_indirect_dma semaphore(%arg22 : memref<!tpu.dma_semaphore, #tpu.memory_space<semaphore_mem>>) src(%arg16 : memref<128x128xf32, #tpu.memory_space<vmem>>) dst(%dma_wait3A_189 : memref<10112x128xf32, #tpu.memory_space<vmem_shared>>)
        } else {
        }
        %dma_start3A_165 = arith.constant 0 : i32
        %dma_start3A_166 = tpu.memref_slice %arg13[%add3A_159, %dma_start3A_165] : memref<40x128xi32, #tpu.memory_space<vmem>> -> memref<1x128xi32, #tpu.memory_space<vmem>>
        %dma_start3A_167 = tpu.memref_squeeze %dma_start3A_166 : memref<1x128xi32, #tpu.memory_space<vmem>> -> memref<128xi32, #tpu.memory_space<vmem>>
        %dma_start3A_168 = arith.constant 0 : i32
        %dma_start3A_169 = arith.constant 0 : i32
        %dma_start3A_170 = tpu.memref_slice %arg4[%dma_start3A_168, %dma_start3A_169] : memref<10016x128xf32, #tpu.memory_space<hbm>> -> memref<10016x128xf32, #tpu.memory_space<hbm>>
        tpu.enqueue_indirect_dma source(%dma_start3A_170 : memref<10016x128xf32, #tpu.memory_space<hbm>>) target(%arg16 : memref<128x128xf32, #tpu.memory_space<vmem>>) offsets(%dma_start3A_167 : memref<128xi32, #tpu.memory_space<vmem>>) semaphore(%arg20 : memref<!tpu.dma_semaphore, #tpu.memory_space<semaphore_mem>>)
        %dma_wait3A_171 = arith.constant 0 : i32
        %dma_wait3A_172 = tpu.memref_slice %arg13[%add3A_159, %dma_wait3A_171] : memref<40x128xi32, #tpu.memory_space<vmem>> -> memref<1x128xi32, #tpu.memory_space<vmem>>
        %dma_wait3A_173 = tpu.memref_squeeze %dma_wait3A_172 : memref<1x128xi32, #tpu.memory_space<vmem>> -> memref<128xi32, #tpu.memory_space<vmem>>
        %dma_wait3A_174 = arith.constant 0 : i32
        %dma_wait3A_175 = arith.constant 0 : i32
        %dma_wait3A_176 = tpu.memref_slice %arg4[%dma_wait3A_174, %dma_wait3A_175] : memref<10016x128xf32, #tpu.memory_space<hbm>> -> memref<10016x128xf32, #tpu.memory_space<hbm>>
        tpu.wait_indirect_dma semaphore(%arg20 : memref<!tpu.dma_semaphore, #tpu.memory_space<semaphore_mem>>) src(%dma_wait3A_176 : memref<10016x128xf32, #tpu.memory_space<hbm>>) dst(%arg16 : memref<128x128xf32, #tpu.memory_space<vmem>>)
        %dma_start3A_177 = arith.constant 0 : i32
        %dma_start3A_178 = tpu.memref_slice %arg14[%add3A_159, %dma_start3A_177] : memref<40x128xi32, #tpu.memory_space<vmem>> -> memref<1x128xi32, #tpu.memory_space<vmem>>
        %dma_start3A_179 = tpu.memref_squeeze %dma_start3A_178 : memref<1x128xi32, #tpu.memory_space<vmem>> -> memref<128xi32, #tpu.memory_space<vmem>>
        %dma_start3A_180 = arith.constant 0 : i32
        %dma_start3A_181 = arith.constant 0 : i32
        %dma_start3A_182 = tpu.memref_slice %arg18[%dma_start3A_180, %dma_start3A_181] : memref<10112x128xf32, #tpu.memory_space<vmem_shared>> -> memref<10112x128xf32, #tpu.memory_space<vmem_shared>>
        tpu.enqueue_indirect_dma source(%arg16 : memref<128x128xf32, #tpu.memory_space<vmem>>) target(%dma_start3A_182 : memref<10112x128xf32, #tpu.memory_space<vmem_shared>>) offsets(%dma_start3A_179 : memref<128xi32, #tpu.memory_space<vmem>>) semaphore(%arg22 : memref<!tpu.dma_semaphore, #tpu.memory_space<semaphore_mem>>) {add = true}
      }
      %scan3A_52 = arith.constant 20 : i32
      %scan3A_53 = arith.constant 0 : i32
      %scan3A_54 = arith.constant 0 : i32
      %scan3A_55 = arith.constant 40 : i32
      %scan3A_56 = arith.addi %scan3A_54, %scan3A_55 : i32
      %scan3A_57 = arith.constant 1 : i32
      scf.for %scan3A_129 = %scan3A_54 to %scan3A_56 step %scan3A_57  : i32 {
        %dma_wait3A_130 = arith.constant 0 : i32
        %dma_wait3A_131 = arith.constant 0 : i32
        %dma_wait3A_132 = arith.constant 0 : i32
        %dma_wait3A_133 = tpu.memref_slice %arg17[%dma_wait3A_131, %dma_wait3A_132] : memref<40x128xf32, #tpu.memory_space<vmem>> -> memref<1x128xf32, #tpu.memory_space<vmem>>
        %dma_wait3A_134 = tpu.memref_squeeze %dma_wait3A_133 : memref<1x128xf32, #tpu.memory_space<vmem>> -> memref<128xf32, #tpu.memory_space<vmem>>
        %dma_wait3A_135 = arith.constant 0 : i32
        %dma_wait3A_136 = tpu.memref_slice %arg14[%dma_wait3A_130, %dma_wait3A_135] : memref<40x128xi32, #tpu.memory_space<vmem>> -> memref<1x128xi32, #tpu.memory_space<vmem>>
        %dma_wait3A_137 = tpu.memref_squeeze %dma_wait3A_136 : memref<1x128xi32, #tpu.memory_space<vmem>> -> memref<128xi32, #tpu.memory_space<vmem>>
        %dma_wait3A_138 = arith.constant 0 : i32
        %dma_wait3A_139 = tpu.memref_slice %arg6[%dma_wait3A_138] : memref<10016xf32, #tpu.memory_space<hbm>> -> memref<10016xf32, #tpu.memory_space<hbm>>
        tpu.wait_indirect_dma semaphore(%arg23 : memref<!tpu.dma_semaphore, #tpu.memory_space<semaphore_mem>>) src(%dma_wait3A_139 : memref<10016xf32, #tpu.memory_space<hbm>>) dst(%dma_wait3A_134 : memref<128xf32, #tpu.memory_space<vmem>>)
      }
      %scan3A_58 = arith.constant 40 : i32
      %scan3A_59 = arith.constant 0 : i32
      %scan3A_60 = arith.constant 0 : i32
      %scan3A_61 = arith.constant 40 : i32
      %scan3A_62 = arith.addi %scan3A_60, %scan3A_61 : i32
      %scan3A_63 = arith.constant 1 : i32
      scf.for %scan3A_129 = %scan3A_60 to %scan3A_62 step %scan3A_63  : i32 {
        %dma_start3A_130 = arith.constant 0 : i32
        %dma_start3A_131 = tpu.memref_slice %arg17[%scan3A_129, %dma_start3A_130] : memref<40x128xf32, #tpu.memory_space<vmem>> -> memref<1x128xf32, #tpu.memory_space<vmem>>
        %dma_start3A_132 = tpu.memref_squeeze %dma_start3A_131 : memref<1x128xf32, #tpu.memory_space<vmem>> -> memref<128xf32, #tpu.memory_space<vmem>>
        %dma_start3A_133 = arith.constant 0 : i32
        %dma_start3A_134 = tpu.memref_slice %arg13[%scan3A_129, %dma_start3A_133] : memref<40x128xi32, #tpu.memory_space<vmem>> -> memref<1x128xi32, #tpu.memory_space<vmem>>
        %dma_start3A_135 = tpu.memref_squeeze %dma_start3A_134 : memref<1x128xi32, #tpu.memory_space<vmem>> -> memref<128xi32, #tpu.memory_space<vmem>>
        %dma_start3A_136 = arith.constant 0 : i32
        %dma_start3A_137 = tpu.memref_slice %arg19[%dma_start3A_136] : memref<10240xf32, #tpu.memory_space<vmem_shared>> -> memref<10240xf32, #tpu.memory_space<vmem_shared>>
        tpu.enqueue_indirect_dma source(%dma_start3A_132 : memref<128xf32, #tpu.memory_space<vmem>>) target(%dma_start3A_137 : memref<10240xf32, #tpu.memory_space<vmem_shared>>) offsets(%dma_start3A_135 : memref<128xi32, #tpu.memory_space<vmem>>) semaphore(%arg23 : memref<!tpu.dma_semaphore, #tpu.memory_space<semaphore_mem>>) {add = true}
      }
      %scan3A_64 = arith.constant 40 : i32
      %scan3A_65 = arith.constant 0 : i32
      %scan3A_66 = arith.constant 0 : i32
      %scan3A_67 = arith.constant 40 : i32
      %scan3A_68 = arith.addi %scan3A_66, %scan3A_67 : i32
      %scan3A_69 = arith.constant 1 : i32
      scf.for %scan3A_129 = %scan3A_66 to %scan3A_68 step %scan3A_69  : i32 {
        %dma_wait3A_130 = arith.constant 0 : i32
        %dma_wait3A_131 = arith.constant 0 : i32
        %dma_wait3A_132 = arith.constant 0 : i32
        %dma_wait3A_133 = tpu.memref_slice %arg17[%dma_wait3A_131, %dma_wait3A_132] : memref<40x128xf32, #tpu.memory_space<vmem>> -> memref<1x128xf32, #tpu.memory_space<vmem>>
        %dma_wait3A_134 = tpu.memref_squeeze %dma_wait3A_133 : memref<1x128xf32, #tpu.memory_space<vmem>> -> memref<128xf32, #tpu.memory_space<vmem>>
        %dma_wait3A_135 = arith.constant 0 : i32
        %dma_wait3A_136 = tpu.memref_slice %arg14[%dma_wait3A_130, %dma_wait3A_135] : memref<40x128xi32, #tpu.memory_space<vmem>> -> memref<1x128xi32, #tpu.memory_space<vmem>>
        %dma_wait3A_137 = tpu.memref_squeeze %dma_wait3A_136 : memref<1x128xi32, #tpu.memory_space<vmem>> -> memref<128xi32, #tpu.memory_space<vmem>>
        %dma_wait3A_138 = arith.constant 0 : i32
        %dma_wait3A_139 = tpu.memref_slice %arg6[%dma_wait3A_138] : memref<10016xf32, #tpu.memory_space<hbm>> -> memref<10016xf32, #tpu.memory_space<hbm>>
        tpu.wait_indirect_dma semaphore(%arg23 : memref<!tpu.dma_semaphore, #tpu.memory_space<semaphore_mem>>) src(%dma_wait3A_139 : memref<10016xf32, #tpu.memory_space<hbm>>) dst(%dma_wait3A_134 : memref<128xf32, #tpu.memory_space<vmem>>)
      }
      %scan3A_70 = arith.constant 40 : i32
      %dma_wait3A_71 = arith.constant 0 : i32
      %dma_wait3A_72 = arith.constant 0 : i32
      %dma_wait3A_73 = tpu.memref_slice %arg14[%dma_wait3A_71, %dma_wait3A_72] : memref<40x128xi32, #tpu.memory_space<vmem>> -> memref<1x128xi32, #tpu.memory_space<vmem>>
      %dma_wait3A_74 = tpu.memref_squeeze %dma_wait3A_73 : memref<1x128xi32, #tpu.memory_space<vmem>> -> memref<128xi32, #tpu.memory_space<vmem>>
      %dma_wait3A_75 = arith.constant 0 : i32
      %dma_wait3A_76 = arith.constant 0 : i32
      %dma_wait3A_77 = tpu.memref_slice %arg18[%dma_wait3A_75, %dma_wait3A_76] : memref<10112x128xf32, #tpu.memory_space<vmem_shared>> -> memref<10112x128xf32, #tpu.memory_space<vmem_shared>>
      tpu.wait_indirect_dma semaphore(%arg21 : memref<!tpu.dma_semaphore, #tpu.memory_space<semaphore_mem>>) src(%arg15 : memref<128x128xf32, #tpu.memory_space<vmem>>) dst(%dma_wait3A_77 : memref<10112x128xf32, #tpu.memory_space<vmem_shared>>)
      %dma_wait3A_78 = arith.constant 0 : i32
      %dma_wait3A_79 = arith.constant 0 : i32
      %dma_wait3A_80 = tpu.memref_slice %arg14[%dma_wait3A_78, %dma_wait3A_79] : memref<40x128xi32, #tpu.memory_space<vmem>> -> memref<1x128xi32, #tpu.memory_space<vmem>>
      %dma_wait3A_81 = tpu.memref_squeeze %dma_wait3A_80 : memref<1x128xi32, #tpu.memory_space<vmem>> -> memref<128xi32, #tpu.memory_space<vmem>>
      %dma_wait3A_82 = arith.constant 0 : i32
      %dma_wait3A_83 = arith.constant 0 : i32
      %dma_wait3A_84 = tpu.memref_slice %arg18[%dma_wait3A_82, %dma_wait3A_83] : memref<10112x128xf32, #tpu.memory_space<vmem_shared>> -> memref<10112x128xf32, #tpu.memory_space<vmem_shared>>
      tpu.wait_indirect_dma semaphore(%arg22 : memref<!tpu.dma_semaphore, #tpu.memory_space<semaphore_mem>>) src(%arg16 : memref<128x128xf32, #tpu.memory_space<vmem>>) dst(%dma_wait3A_84 : memref<10112x128xf32, #tpu.memory_space<vmem_shared>>)
      %mul3A_85 = arith.constant 80 : i32
      %mul3A_86 = arith.muli %arg1, %mul3A_85 : i32
      %add3A_87 = arith.constant 40 : i32
      %add3A_88 = arith.addi %mul3A_86, %add3A_87 : i32
      %dma_start3A_89 = arith.constant 0 : i32
      %dma_start3A_90 = tpu.memref_slice %arg2[%add3A_88, %dma_start3A_89] : memref<1280x128xi32, #tpu.memory_space<hbm>> -> memref<40x128xi32, #tpu.memory_space<hbm>>
      %dma_start3A_91 = arith.constant 0 : i32
      %dma_start3A_92 = tpu.memref_slice %arg2[%add3A_88, %dma_start3A_91] : memref<1280x128xi32, #tpu.memory_space<hbm>> -> memref<40x128xi32, #tpu.memory_space<hbm>>
      tpu.enqueue_dma source(%dma_start3A_92 : memref<40x128xi32, #tpu.memory_space<hbm>>) target(%arg13 : memref<40x128xi32, #tpu.memory_space<vmem>>) target_semaphore(%arg20 : memref<!tpu.dma_semaphore, #tpu.memory_space<semaphore_mem>>)
      %mul3A_93 = arith.constant 80 : i32
      %mul3A_94 = arith.muli %arg1, %mul3A_93 : i32
      %add3A_95 = arith.constant 40 : i32
      %add3A_96 = arith.addi %mul3A_94, %add3A_95 : i32
      %dma_start3A_97 = arith.constant 0 : i32
      %dma_start3A_98 = tpu.memref_slice %arg3[%add3A_96, %dma_start3A_97] : memref<1280x128xi32, #tpu.memory_space<hbm>> -> memref<40x128xi32, #tpu.memory_space<hbm>>
      %dma_start3A_99 = arith.constant 0 : i32
      %dma_start3A_100 = tpu.memref_slice %arg3[%add3A_96, %dma_start3A_99] : memref<1280x128xi32, #tpu.memory_space<hbm>> -> memref<40x128xi32, #tpu.memory_space<hbm>>
      tpu.enqueue_dma source(%dma_start3A_100 : memref<40x128xi32, #tpu.memory_space<hbm>>) target(%arg14 : memref<40x128xi32, #tpu.memory_space<vmem>>) target_semaphore(%arg20 : memref<!tpu.dma_semaphore, #tpu.memory_space<semaphore_mem>>)
      %dma_wait3A_101 = arith.constant 0 : i32
      %dma_wait3A_102 = tpu.memref_slice %arg2[%add3A_88, %dma_wait3A_101] : memref<1280x128xi32, #tpu.memory_space<hbm>> -> memref<40x128xi32, #tpu.memory_space<hbm>>
      %dma_wait3A_103 = arith.constant 0 : i32
      %dma_wait3A_104 = tpu.memref_slice %arg2[%add3A_88, %dma_wait3A_103] : memref<1280x128xi32, #tpu.memory_space<hbm>> -> memref<40x128xi32, #tpu.memory_space<hbm>>
      tpu.wait_dma2 semaphore(%arg20 : memref<!tpu.dma_semaphore, #tpu.memory_space<semaphore_mem>>) src(%dma_wait3A_104 : memref<40x128xi32, #tpu.memory_space<hbm>>) dst(%arg13 : memref<40x128xi32, #tpu.memory_space<vmem>>)
      %dma_wait3A_105 = arith.constant 0 : i32
      %dma_wait3A_106 = tpu.memref_slice %arg3[%add3A_96, %dma_wait3A_105] : memref<1280x128xi32, #tpu.memory_space<hbm>> -> memref<40x128xi32, #tpu.memory_space<hbm>>
      %dma_wait3A_107 = arith.constant 0 : i32
      %dma_wait3A_108 = tpu.memref_slice %arg3[%add3A_96, %dma_wait3A_107] : memref<1280x128xi32, #tpu.memory_space<hbm>> -> memref<40x128xi32, #tpu.memory_space<hbm>>
      tpu.wait_dma2 semaphore(%arg20 : memref<!tpu.dma_semaphore, #tpu.memory_space<semaphore_mem>>) src(%dma_wait3A_108 : memref<40x128xi32, #tpu.memory_space<hbm>>) dst(%arg14 : memref<40x128xi32, #tpu.memory_space<vmem>>)
      %scan3A_109 = arith.constant 0 : i32
      %scan3A_110 = arith.constant 0 : i32
      %scan3A_111 = arith.constant 20 : i32
      %scan3A_112 = arith.addi %scan3A_110, %scan3A_111 : i32
      %scan3A_113 = arith.constant 1 : i32
      scf.for %scan3A_129 = %scan3A_110 to %scan3A_112 step %scan3A_113  : i32 {
        %mul3A_130 = arith.constant 2 : i32
        %mul3A_131 = arith.muli %mul3A_130, %scan3A_129 : i32
        %add3A_132 = arith.constant 0 : i32
        %add3A_133 = arith.addi %mul3A_131, %add3A_132 : i32
        %ge3A = arith.constant 1 : i32
        %ge3A_134 = arith.cmpi sge, %scan3A_129, %ge3A : i32
        %convert_element_type3A_135 = arith.extui %ge3A_134 : i1 to i32
        %cond3A_136 = arith.constant 0 : i32
        %cond3A_137 = arith.cmpi ne, %convert_element_type3A_135, %cond3A_136 : i32
        scf.if %cond3A_137 {
          %dma_wait3A_183 = arith.constant 0 : i32
          %dma_wait3A_184 = arith.constant 0 : i32
          %dma_wait3A_185 = tpu.memref_slice %arg14[%dma_wait3A_183, %dma_wait3A_184] : memref<40x128xi32, #tpu.memory_space<vmem>> -> memref<1x128xi32, #tpu.memory_space<vmem>>
          %dma_wait3A_186 = tpu.memref_squeeze %dma_wait3A_185 : memref<1x128xi32, #tpu.memory_space<vmem>> -> memref<128xi32, #tpu.memory_space<vmem>>
          %dma_wait3A_187 = arith.constant 0 : i32
          %dma_wait3A_188 = arith.constant 0 : i32
          %dma_wait3A_189 = tpu.memref_slice %arg18[%dma_wait3A_187, %dma_wait3A_188] : memref<10112x128xf32, #tpu.memory_space<vmem_shared>> -> memref<10112x128xf32, #tpu.memory_space<vmem_shared>>
          tpu.wait_indirect_dma semaphore(%arg21 : memref<!tpu.dma_semaphore, #tpu.memory_space<semaphore_mem>>) src(%arg15 : memref<128x128xf32, #tpu.memory_space<vmem>>) dst(%dma_wait3A_189 : memref<10112x128xf32, #tpu.memory_space<vmem_shared>>)
        } else {
        }
        %dma_start3A_138 = arith.constant 0 : i32
        %dma_start3A_139 = tpu.memref_slice %arg13[%add3A_133, %dma_start3A_138] : memref<40x128xi32, #tpu.memory_space<vmem>> -> memref<1x128xi32, #tpu.memory_space<vmem>>
        %dma_start3A_140 = tpu.memref_squeeze %dma_start3A_139 : memref<1x128xi32, #tpu.memory_space<vmem>> -> memref<128xi32, #tpu.memory_space<vmem>>
        %dma_start3A_141 = arith.constant 0 : i32
        %dma_start3A_142 = arith.constant 0 : i32
        %dma_start3A_143 = tpu.memref_slice %arg4[%dma_start3A_141, %dma_start3A_142] : memref<10016x128xf32, #tpu.memory_space<hbm>> -> memref<10016x128xf32, #tpu.memory_space<hbm>>
        tpu.enqueue_indirect_dma source(%dma_start3A_143 : memref<10016x128xf32, #tpu.memory_space<hbm>>) target(%arg15 : memref<128x128xf32, #tpu.memory_space<vmem>>) offsets(%dma_start3A_140 : memref<128xi32, #tpu.memory_space<vmem>>) semaphore(%arg20 : memref<!tpu.dma_semaphore, #tpu.memory_space<semaphore_mem>>)
        %dma_wait3A_144 = arith.constant 0 : i32
        %dma_wait3A_145 = tpu.memref_slice %arg13[%add3A_133, %dma_wait3A_144] : memref<40x128xi32, #tpu.memory_space<vmem>> -> memref<1x128xi32, #tpu.memory_space<vmem>>
        %dma_wait3A_146 = tpu.memref_squeeze %dma_wait3A_145 : memref<1x128xi32, #tpu.memory_space<vmem>> -> memref<128xi32, #tpu.memory_space<vmem>>
        %dma_wait3A_147 = arith.constant 0 : i32
        %dma_wait3A_148 = arith.constant 0 : i32
        %dma_wait3A_149 = tpu.memref_slice %arg4[%dma_wait3A_147, %dma_wait3A_148] : memref<10016x128xf32, #tpu.memory_space<hbm>> -> memref<10016x128xf32, #tpu.memory_space<hbm>>
        tpu.wait_indirect_dma semaphore(%arg20 : memref<!tpu.dma_semaphore, #tpu.memory_space<semaphore_mem>>) src(%dma_wait3A_149 : memref<10016x128xf32, #tpu.memory_space<hbm>>) dst(%arg15 : memref<128x128xf32, #tpu.memory_space<vmem>>)
        %dma_start3A_150 = arith.constant 0 : i32
        %dma_start3A_151 = tpu.memref_slice %arg14[%add3A_133, %dma_start3A_150] : memref<40x128xi32, #tpu.memory_space<vmem>> -> memref<1x128xi32, #tpu.memory_space<vmem>>
        %dma_start3A_152 = tpu.memref_squeeze %dma_start3A_151 : memref<1x128xi32, #tpu.memory_space<vmem>> -> memref<128xi32, #tpu.memory_space<vmem>>
        %dma_start3A_153 = arith.constant 0 : i32
        %dma_start3A_154 = arith.constant 0 : i32
        %dma_start3A_155 = tpu.memref_slice %arg18[%dma_start3A_153, %dma_start3A_154] : memref<10112x128xf32, #tpu.memory_space<vmem_shared>> -> memref<10112x128xf32, #tpu.memory_space<vmem_shared>>
        tpu.enqueue_indirect_dma source(%arg15 : memref<128x128xf32, #tpu.memory_space<vmem>>) target(%dma_start3A_155 : memref<10112x128xf32, #tpu.memory_space<vmem_shared>>) offsets(%dma_start3A_152 : memref<128xi32, #tpu.memory_space<vmem>>) semaphore(%arg21 : memref<!tpu.dma_semaphore, #tpu.memory_space<semaphore_mem>>) {add = true}
        %mul3A_156 = arith.constant 2 : i32
        %mul3A_157 = arith.muli %mul3A_156, %scan3A_129 : i32
        %add3A_158 = arith.constant 1 : i32
        %add3A_159 = arith.addi %mul3A_157, %add3A_158 : i32
        %ge3A_160 = arith.constant 1 : i32
        %ge3A_161 = arith.cmpi sge, %scan3A_129, %ge3A_160 : i32
        %convert_element_type3A_162 = arith.extui %ge3A_161 : i1 to i32
        %cond3A_163 = arith.constant 0 : i32
        %cond3A_164 = arith.cmpi ne, %convert_element_type3A_162, %cond3A_163 : i32
        scf.if %cond3A_164 {
          %dma_wait3A_183 = arith.constant 0 : i32
          %dma_wait3A_184 = arith.constant 0 : i32
          %dma_wait3A_185 = tpu.memref_slice %arg14[%dma_wait3A_183, %dma_wait3A_184] : memref<40x128xi32, #tpu.memory_space<vmem>> -> memref<1x128xi32, #tpu.memory_space<vmem>>
          %dma_wait3A_186 = tpu.memref_squeeze %dma_wait3A_185 : memref<1x128xi32, #tpu.memory_space<vmem>> -> memref<128xi32, #tpu.memory_space<vmem>>
          %dma_wait3A_187 = arith.constant 0 : i32
          %dma_wait3A_188 = arith.constant 0 : i32
          %dma_wait3A_189 = tpu.memref_slice %arg18[%dma_wait3A_187, %dma_wait3A_188] : memref<10112x128xf32, #tpu.memory_space<vmem_shared>> -> memref<10112x128xf32, #tpu.memory_space<vmem_shared>>
          tpu.wait_indirect_dma semaphore(%arg22 : memref<!tpu.dma_semaphore, #tpu.memory_space<semaphore_mem>>) src(%arg16 : memref<128x128xf32, #tpu.memory_space<vmem>>) dst(%dma_wait3A_189 : memref<10112x128xf32, #tpu.memory_space<vmem_shared>>)
        } else {
        }
        %dma_start3A_165 = arith.constant 0 : i32
        %dma_start3A_166 = tpu.memref_slice %arg13[%add3A_159, %dma_start3A_165] : memref<40x128xi32, #tpu.memory_space<vmem>> -> memref<1x128xi32, #tpu.memory_space<vmem>>
        %dma_start3A_167 = tpu.memref_squeeze %dma_start3A_166 : memref<1x128xi32, #tpu.memory_space<vmem>> -> memref<128xi32, #tpu.memory_space<vmem>>
        %dma_start3A_168 = arith.constant 0 : i32
        %dma_start3A_169 = arith.constant 0 : i32
        %dma_start3A_170 = tpu.memref_slice %arg4[%dma_start3A_168, %dma_start3A_169] : memref<10016x128xf32, #tpu.memory_space<hbm>> -> memref<10016x128xf32, #tpu.memory_space<hbm>>
        tpu.enqueue_indirect_dma source(%dma_start3A_170 : memref<10016x128xf32, #tpu.memory_space<hbm>>) target(%arg16 : memref<128x128xf32, #tpu.memory_space<vmem>>) offsets(%dma_start3A_167 : memref<128xi32, #tpu.memory_space<vmem>>) semaphore(%arg20 : memref<!tpu.dma_semaphore, #tpu.memory_space<semaphore_mem>>)
        %dma_wait3A_171 = arith.constant 0 : i32
        %dma_wait3A_172 = tpu.memref_slice %arg13[%add3A_159, %dma_wait3A_171] : memref<40x128xi32, #tpu.memory_space<vmem>> -> memref<1x128xi32, #tpu.memory_space<vmem>>
        %dma_wait3A_173 = tpu.memref_squeeze %dma_wait3A_172 : memref<1x128xi32, #tpu.memory_space<vmem>> -> memref<128xi32, #tpu.memory_space<vmem>>
        %dma_wait3A_174 = arith.constant 0 : i32
        %dma_wait3A_175 = arith.constant 0 : i32
        %dma_wait3A_176 = tpu.memref_slice %arg4[%dma_wait3A_174, %dma_wait3A_175] : memref<10016x128xf32, #tpu.memory_space<hbm>> -> memref<10016x128xf32, #tpu.memory_space<hbm>>
        tpu.wait_indirect_dma semaphore(%arg20 : memref<!tpu.dma_semaphore, #tpu.memory_space<semaphore_mem>>) src(%dma_wait3A_176 : memref<10016x128xf32, #tpu.memory_space<hbm>>) dst(%arg16 : memref<128x128xf32, #tpu.memory_space<vmem>>)
        %dma_start3A_177 = arith.constant 0 : i32
        %dma_start3A_178 = tpu.memref_slice %arg14[%add3A_159, %dma_start3A_177] : memref<40x128xi32, #tpu.memory_space<vmem>> -> memref<1x128xi32, #tpu.memory_space<vmem>>
        %dma_start3A_179 = tpu.memref_squeeze %dma_start3A_178 : memref<1x128xi32, #tpu.memory_space<vmem>> -> memref<128xi32, #tpu.memory_space<vmem>>
        %dma_start3A_180 = arith.constant 0 : i32
        %dma_start3A_181 = arith.constant 0 : i32
        %dma_start3A_182 = tpu.memref_slice %arg18[%dma_start3A_180, %dma_start3A_181] : memref<10112x128xf32, #tpu.memory_space<vmem_shared>> -> memref<10112x128xf32, #tpu.memory_space<vmem_shared>>
        tpu.enqueue_indirect_dma source(%arg16 : memref<128x128xf32, #tpu.memory_space<vmem>>) target(%dma_start3A_182 : memref<10112x128xf32, #tpu.memory_space<vmem_shared>>) offsets(%dma_start3A_179 : memref<128xi32, #tpu.memory_space<vmem>>) semaphore(%arg22 : memref<!tpu.dma_semaphore, #tpu.memory_space<semaphore_mem>>) {add = true}
      }
      %scan3A_114 = arith.constant 20 : i32
      %dma_wait3A_115 = arith.constant 0 : i32
      %dma_wait3A_116 = arith.constant 0 : i32
      %dma_wait3A_117 = tpu.memref_slice %arg14[%dma_wait3A_115, %dma_wait3A_116] : memref<40x128xi32, #tpu.memory_space<vmem>> -> memref<1x128xi32, #tpu.memory_space<vmem>>
      %dma_wait3A_118 = tpu.memref_squeeze %dma_wait3A_117 : memref<1x128xi32, #tpu.memory_space<vmem>> -> memref<128xi32, #tpu.memory_space<vmem>>
      %dma_wait3A_119 = arith.constant 0 : i32
      %dma_wait3A_120 = arith.constant 0 : i32
      %dma_wait3A_121 = tpu.memref_slice %arg18[%dma_wait3A_119, %dma_wait3A_120] : memref<10112x128xf32, #tpu.memory_space<vmem_shared>> -> memref<10112x128xf32, #tpu.memory_space<vmem_shared>>
      tpu.wait_indirect_dma semaphore(%arg21 : memref<!tpu.dma_semaphore, #tpu.memory_space<semaphore_mem>>) src(%arg15 : memref<128x128xf32, #tpu.memory_space<vmem>>) dst(%dma_wait3A_121 : memref<10112x128xf32, #tpu.memory_space<vmem_shared>>)
      %dma_wait3A_122 = arith.constant 0 : i32
      %dma_wait3A_123 = arith.constant 0 : i32
      %dma_wait3A_124 = tpu.memref_slice %arg14[%dma_wait3A_122, %dma_wait3A_123] : memref<40x128xi32, #tpu.memory_space<vmem>> -> memref<1x128xi32, #tpu.memory_space<vmem>>
      %dma_wait3A_125 = tpu.memref_squeeze %dma_wait3A_124 : memref<1x128xi32, #tpu.memory_space<vmem>> -> memref<128xi32, #tpu.memory_space<vmem>>
      %dma_wait3A_126 = arith.constant 0 : i32
      %dma_wait3A_127 = arith.constant 0 : i32
      %dma_wait3A_128 = tpu.memref_slice %arg18[%dma_wait3A_126, %dma_wait3A_127] : memref<10112x128xf32, #tpu.memory_space<vmem_shared>> -> memref<10112x128xf32, #tpu.memory_space<vmem_shared>>
      tpu.wait_indirect_dma semaphore(%arg22 : memref<!tpu.dma_semaphore, #tpu.memory_space<semaphore_mem>>) src(%arg16 : memref<128x128xf32, #tpu.memory_space<vmem>>) dst(%dma_wait3A_128 : memref<10112x128xf32, #tpu.memory_space<vmem_shared>>)
    } else {
    }
    %eq3A_5 = arith.constant 1 : i32
    %eq3A_6 = arith.cmpi eq, %arg0, %eq3A_5 : i32
    %convert_element_type3A_7 = arith.extui %eq3A_6 : i1 to i32
    %cond3A_8 = arith.constant 0 : i32
    %cond3A_9 = arith.cmpi ne, %convert_element_type3A_7, %cond3A_8 : i32
    scf.if %cond3A_9 {
      %mul3A_21 = arith.constant 80 : i32
      %mul3A_22 = arith.muli %arg1, %mul3A_21 : i32
      %add3A = arith.constant 0 : i32
      %add3A_23 = arith.addi %mul3A_22, %add3A : i32
      %dma_start3A = arith.constant 0 : i32
      %dma_start3A_24 = tpu.memref_slice %arg2[%add3A_23, %dma_start3A] : memref<1280x128xi32, #tpu.memory_space<hbm>> -> memref<40x128xi32, #tpu.memory_space<hbm>>
      %dma_start3A_25 = arith.constant 0 : i32
      %dma_start3A_26 = tpu.memref_slice %arg2[%add3A_23, %dma_start3A_25] : memref<1280x128xi32, #tpu.memory_space<hbm>> -> memref<40x128xi32, #tpu.memory_space<hbm>>
      tpu.enqueue_dma source(%dma_start3A_26 : memref<40x128xi32, #tpu.memory_space<hbm>>) target(%arg13 : memref<40x128xi32, #tpu.memory_space<vmem>>) target_semaphore(%arg20 : memref<!tpu.dma_semaphore, #tpu.memory_space<semaphore_mem>>)
      %mul3A_27 = arith.constant 80 : i32
      %mul3A_28 = arith.muli %arg1, %mul3A_27 : i32
      %add3A_29 = arith.constant 0 : i32
      %add3A_30 = arith.addi %mul3A_28, %add3A_29 : i32
      %dma_start3A_31 = arith.constant 0 : i32
      %dma_start3A_32 = tpu.memref_slice %arg3[%add3A_30, %dma_start3A_31] : memref<1280x128xi32, #tpu.memory_space<hbm>> -> memref<40x128xi32, #tpu.memory_space<hbm>>
      %dma_start3A_33 = arith.constant 0 : i32
      %dma_start3A_34 = tpu.memref_slice %arg3[%add3A_30, %dma_start3A_33] : memref<1280x128xi32, #tpu.memory_space<hbm>> -> memref<40x128xi32, #tpu.memory_space<hbm>>
      tpu.enqueue_dma source(%dma_start3A_34 : memref<40x128xi32, #tpu.memory_space<hbm>>) target(%arg14 : memref<40x128xi32, #tpu.memory_space<vmem>>) target_semaphore(%arg20 : memref<!tpu.dma_semaphore, #tpu.memory_space<semaphore_mem>>)
      %dma_wait3A = arith.constant 0 : i32
      %dma_wait3A_35 = tpu.memref_slice %arg2[%add3A_23, %dma_wait3A] : memref<1280x128xi32, #tpu.memory_space<hbm>> -> memref<40x128xi32, #tpu.memory_space<hbm>>
      %dma_wait3A_36 = arith.constant 0 : i32
      %dma_wait3A_37 = tpu.memref_slice %arg2[%add3A_23, %dma_wait3A_36] : memref<1280x128xi32, #tpu.memory_space<hbm>> -> memref<40x128xi32, #tpu.memory_space<hbm>>
      tpu.wait_dma2 semaphore(%arg20 : memref<!tpu.dma_semaphore, #tpu.memory_space<semaphore_mem>>) src(%dma_wait3A_37 : memref<40x128xi32, #tpu.memory_space<hbm>>) dst(%arg13 : memref<40x128xi32, #tpu.memory_space<vmem>>)
      %dma_wait3A_38 = arith.constant 0 : i32
      %dma_wait3A_39 = tpu.memref_slice %arg3[%add3A_30, %dma_wait3A_38] : memref<1280x128xi32, #tpu.memory_space<hbm>> -> memref<40x128xi32, #tpu.memory_space<hbm>>
      %dma_wait3A_40 = arith.constant 0 : i32
      %dma_wait3A_41 = tpu.memref_slice %arg3[%add3A_30, %dma_wait3A_40] : memref<1280x128xi32, #tpu.memory_space<hbm>> -> memref<40x128xi32, #tpu.memory_space<hbm>>
      tpu.wait_dma2 semaphore(%arg20 : memref<!tpu.dma_semaphore, #tpu.memory_space<semaphore_mem>>) src(%dma_wait3A_41 : memref<40x128xi32, #tpu.memory_space<hbm>>) dst(%arg14 : memref<40x128xi32, #tpu.memory_space<vmem>>)
      %scan3A = arith.constant 0 : i32
      %scan3A_42 = arith.constant 0 : i32
      %scan3A_43 = arith.constant 20 : i32
      %scan3A_44 = arith.addi %scan3A_42, %scan3A_43 : i32
      %scan3A_45 = arith.constant 1 : i32
      scf.for %scan3A_129 = %scan3A_42 to %scan3A_44 step %scan3A_45  : i32 {
        %mul3A_130 = arith.constant 2 : i32
        %mul3A_131 = arith.muli %mul3A_130, %scan3A_129 : i32
        %add3A_132 = arith.constant 0 : i32
        %add3A_133 = arith.addi %mul3A_131, %add3A_132 : i32
        %ge3A = arith.constant 1 : i32
        %ge3A_134 = arith.cmpi sge, %scan3A_129, %ge3A : i32
        %convert_element_type3A_135 = arith.extui %ge3A_134 : i1 to i32
        %cond3A_136 = arith.constant 0 : i32
        %cond3A_137 = arith.cmpi ne, %convert_element_type3A_135, %cond3A_136 : i32
        scf.if %cond3A_137 {
          %dma_wait3A_183 = arith.constant 0 : i32
          %dma_wait3A_184 = arith.constant 0 : i32
          %dma_wait3A_185 = tpu.memref_slice %arg14[%dma_wait3A_183, %dma_wait3A_184] : memref<40x128xi32, #tpu.memory_space<vmem>> -> memref<1x128xi32, #tpu.memory_space<vmem>>
          %dma_wait3A_186 = tpu.memref_squeeze %dma_wait3A_185 : memref<1x128xi32, #tpu.memory_space<vmem>> -> memref<128xi32, #tpu.memory_space<vmem>>
          %dma_wait3A_187 = arith.constant 0 : i32
          %dma_wait3A_188 = arith.constant 0 : i32
          %dma_wait3A_189 = tpu.memref_slice %arg18[%dma_wait3A_187, %dma_wait3A_188] : memref<10112x128xf32, #tpu.memory_space<vmem_shared>> -> memref<10112x128xf32, #tpu.memory_space<vmem_shared>>
          tpu.wait_indirect_dma semaphore(%arg21 : memref<!tpu.dma_semaphore, #tpu.memory_space<semaphore_mem>>) src(%arg15 : memref<128x128xf32, #tpu.memory_space<vmem>>) dst(%dma_wait3A_189 : memref<10112x128xf32, #tpu.memory_space<vmem_shared>>)
        } else {
        }
        %dma_start3A_138 = arith.constant 0 : i32
        %dma_start3A_139 = tpu.memref_slice %arg13[%add3A_133, %dma_start3A_138] : memref<40x128xi32, #tpu.memory_space<vmem>> -> memref<1x128xi32, #tpu.memory_space<vmem>>
        %dma_start3A_140 = tpu.memref_squeeze %dma_start3A_139 : memref<1x128xi32, #tpu.memory_space<vmem>> -> memref<128xi32, #tpu.memory_space<vmem>>
        %dma_start3A_141 = arith.constant 0 : i32
        %dma_start3A_142 = arith.constant 0 : i32
        %dma_start3A_143 = tpu.memref_slice %arg5[%dma_start3A_141, %dma_start3A_142] : memref<10016x128xf32, #tpu.memory_space<hbm>> -> memref<10016x128xf32, #tpu.memory_space<hbm>>
        tpu.enqueue_indirect_dma source(%dma_start3A_143 : memref<10016x128xf32, #tpu.memory_space<hbm>>) target(%arg15 : memref<128x128xf32, #tpu.memory_space<vmem>>) offsets(%dma_start3A_140 : memref<128xi32, #tpu.memory_space<vmem>>) semaphore(%arg20 : memref<!tpu.dma_semaphore, #tpu.memory_space<semaphore_mem>>)
        %dma_wait3A_144 = arith.constant 0 : i32
        %dma_wait3A_145 = tpu.memref_slice %arg13[%add3A_133, %dma_wait3A_144] : memref<40x128xi32, #tpu.memory_space<vmem>> -> memref<1x128xi32, #tpu.memory_space<vmem>>
        %dma_wait3A_146 = tpu.memref_squeeze %dma_wait3A_145 : memref<1x128xi32, #tpu.memory_space<vmem>> -> memref<128xi32, #tpu.memory_space<vmem>>
        %dma_wait3A_147 = arith.constant 0 : i32
        %dma_wait3A_148 = arith.constant 0 : i32
        %dma_wait3A_149 = tpu.memref_slice %arg5[%dma_wait3A_147, %dma_wait3A_148] : memref<10016x128xf32, #tpu.memory_space<hbm>> -> memref<10016x128xf32, #tpu.memory_space<hbm>>
        tpu.wait_indirect_dma semaphore(%arg20 : memref<!tpu.dma_semaphore, #tpu.memory_space<semaphore_mem>>) src(%dma_wait3A_149 : memref<10016x128xf32, #tpu.memory_space<hbm>>) dst(%arg15 : memref<128x128xf32, #tpu.memory_space<vmem>>)
        %dma_start3A_150 = arith.constant 0 : i32
        %dma_start3A_151 = tpu.memref_slice %arg14[%add3A_133, %dma_start3A_150] : memref<40x128xi32, #tpu.memory_space<vmem>> -> memref<1x128xi32, #tpu.memory_space<vmem>>
        %dma_start3A_152 = tpu.memref_squeeze %dma_start3A_151 : memref<1x128xi32, #tpu.memory_space<vmem>> -> memref<128xi32, #tpu.memory_space<vmem>>
        %dma_start3A_153 = arith.constant 0 : i32
        %dma_start3A_154 = arith.constant 0 : i32
        %dma_start3A_155 = tpu.memref_slice %arg18[%dma_start3A_153, %dma_start3A_154] : memref<10112x128xf32, #tpu.memory_space<vmem_shared>> -> memref<10112x128xf32, #tpu.memory_space<vmem_shared>>
        tpu.enqueue_indirect_dma source(%arg15 : memref<128x128xf32, #tpu.memory_space<vmem>>) target(%dma_start3A_155 : memref<10112x128xf32, #tpu.memory_space<vmem_shared>>) offsets(%dma_start3A_152 : memref<128xi32, #tpu.memory_space<vmem>>) semaphore(%arg21 : memref<!tpu.dma_semaphore, #tpu.memory_space<semaphore_mem>>) {add = true}
        %mul3A_156 = arith.constant 2 : i32
        %mul3A_157 = arith.muli %mul3A_156, %scan3A_129 : i32
        %add3A_158 = arith.constant 1 : i32
        %add3A_159 = arith.addi %mul3A_157, %add3A_158 : i32
        %ge3A_160 = arith.constant 1 : i32
        %ge3A_161 = arith.cmpi sge, %scan3A_129, %ge3A_160 : i32
        %convert_element_type3A_162 = arith.extui %ge3A_161 : i1 to i32
        %cond3A_163 = arith.constant 0 : i32
        %cond3A_164 = arith.cmpi ne, %convert_element_type3A_162, %cond3A_163 : i32
        scf.if %cond3A_164 {
          %dma_wait3A_183 = arith.constant 0 : i32
          %dma_wait3A_184 = arith.constant 0 : i32
          %dma_wait3A_185 = tpu.memref_slice %arg14[%dma_wait3A_183, %dma_wait3A_184] : memref<40x128xi32, #tpu.memory_space<vmem>> -> memref<1x128xi32, #tpu.memory_space<vmem>>
          %dma_wait3A_186 = tpu.memref_squeeze %dma_wait3A_185 : memref<1x128xi32, #tpu.memory_space<vmem>> -> memref<128xi32, #tpu.memory_space<vmem>>
          %dma_wait3A_187 = arith.constant 0 : i32
          %dma_wait3A_188 = arith.constant 0 : i32
          %dma_wait3A_189 = tpu.memref_slice %arg18[%dma_wait3A_187, %dma_wait3A_188] : memref<10112x128xf32, #tpu.memory_space<vmem_shared>> -> memref<10112x128xf32, #tpu.memory_space<vmem_shared>>
          tpu.wait_indirect_dma semaphore(%arg22 : memref<!tpu.dma_semaphore, #tpu.memory_space<semaphore_mem>>) src(%arg16 : memref<128x128xf32, #tpu.memory_space<vmem>>) dst(%dma_wait3A_189 : memref<10112x128xf32, #tpu.memory_space<vmem_shared>>)
        } else {
        }
        %dma_start3A_165 = arith.constant 0 : i32
        %dma_start3A_166 = tpu.memref_slice %arg13[%add3A_159, %dma_start3A_165] : memref<40x128xi32, #tpu.memory_space<vmem>> -> memref<1x128xi32, #tpu.memory_space<vmem>>
        %dma_start3A_167 = tpu.memref_squeeze %dma_start3A_166 : memref<1x128xi32, #tpu.memory_space<vmem>> -> memref<128xi32, #tpu.memory_space<vmem>>
        %dma_start3A_168 = arith.constant 0 : i32
        %dma_start3A_169 = arith.constant 0 : i32
        %dma_start3A_170 = tpu.memref_slice %arg5[%dma_start3A_168, %dma_start3A_169] : memref<10016x128xf32, #tpu.memory_space<hbm>> -> memref<10016x128xf32, #tpu.memory_space<hbm>>
        tpu.enqueue_indirect_dma source(%dma_start3A_170 : memref<10016x128xf32, #tpu.memory_space<hbm>>) target(%arg16 : memref<128x128xf32, #tpu.memory_space<vmem>>) offsets(%dma_start3A_167 : memref<128xi32, #tpu.memory_space<vmem>>) semaphore(%arg20 : memref<!tpu.dma_semaphore, #tpu.memory_space<semaphore_mem>>)
        %dma_wait3A_171 = arith.constant 0 : i32
        %dma_wait3A_172 = tpu.memref_slice %arg13[%add3A_159, %dma_wait3A_171] : memref<40x128xi32, #tpu.memory_space<vmem>> -> memref<1x128xi32, #tpu.memory_space<vmem>>
        %dma_wait3A_173 = tpu.memref_squeeze %dma_wait3A_172 : memref<1x128xi32, #tpu.memory_space<vmem>> -> memref<128xi32, #tpu.memory_space<vmem>>
        %dma_wait3A_174 = arith.constant 0 : i32
        %dma_wait3A_175 = arith.constant 0 : i32
        %dma_wait3A_176 = tpu.memref_slice %arg5[%dma_wait3A_174, %dma_wait3A_175] : memref<10016x128xf32, #tpu.memory_space<hbm>> -> memref<10016x128xf32, #tpu.memory_space<hbm>>
        tpu.wait_indirect_dma semaphore(%arg20 : memref<!tpu.dma_semaphore, #tpu.memory_space<semaphore_mem>>) src(%dma_wait3A_176 : memref<10016x128xf32, #tpu.memory_space<hbm>>) dst(%arg16 : memref<128x128xf32, #tpu.memory_space<vmem>>)
        %dma_start3A_177 = arith.constant 0 : i32
        %dma_start3A_178 = tpu.memref_slice %arg14[%add3A_159, %dma_start3A_177] : memref<40x128xi32, #tpu.memory_space<vmem>> -> memref<1x128xi32, #tpu.memory_space<vmem>>
        %dma_start3A_179 = tpu.memref_squeeze %dma_start3A_178 : memref<1x128xi32, #tpu.memory_space<vmem>> -> memref<128xi32, #tpu.memory_space<vmem>>
        %dma_start3A_180 = arith.constant 0 : i32
        %dma_start3A_181 = arith.constant 0 : i32
        %dma_start3A_182 = tpu.memref_slice %arg18[%dma_start3A_180, %dma_start3A_181] : memref<10112x128xf32, #tpu.memory_space<vmem_shared>> -> memref<10112x128xf32, #tpu.memory_space<vmem_shared>>
        tpu.enqueue_indirect_dma source(%arg16 : memref<128x128xf32, #tpu.memory_space<vmem>>) target(%dma_start3A_182 : memref<10112x128xf32, #tpu.memory_space<vmem_shared>>) offsets(%dma_start3A_179 : memref<128xi32, #tpu.memory_space<vmem>>) semaphore(%arg22 : memref<!tpu.dma_semaphore, #tpu.memory_space<semaphore_mem>>) {add = true}
      }
      %scan3A_46 = arith.constant 20 : i32
      %dma_wait3A_47 = arith.constant 0 : i32
      %dma_wait3A_48 = arith.constant 0 : i32
      %dma_wait3A_49 = tpu.memref_slice %arg14[%dma_wait3A_47, %dma_wait3A_48] : memref<40x128xi32, #tpu.memory_space<vmem>> -> memref<1x128xi32, #tpu.memory_space<vmem>>
      %dma_wait3A_50 = tpu.memref_squeeze %dma_wait3A_49 : memref<1x128xi32, #tpu.memory_space<vmem>> -> memref<128xi32, #tpu.memory_space<vmem>>
      %dma_wait3A_51 = arith.constant 0 : i32
      %dma_wait3A_52 = arith.constant 0 : i32
      %dma_wait3A_53 = tpu.memref_slice %arg18[%dma_wait3A_51, %dma_wait3A_52] : memref<10112x128xf32, #tpu.memory_space<vmem_shared>> -> memref<10112x128xf32, #tpu.memory_space<vmem_shared>>
      tpu.wait_indirect_dma semaphore(%arg21 : memref<!tpu.dma_semaphore, #tpu.memory_space<semaphore_mem>>) src(%arg15 : memref<128x128xf32, #tpu.memory_space<vmem>>) dst(%dma_wait3A_53 : memref<10112x128xf32, #tpu.memory_space<vmem_shared>>)
      %dma_wait3A_54 = arith.constant 0 : i32
      %dma_wait3A_55 = arith.constant 0 : i32
      %dma_wait3A_56 = tpu.memref_slice %arg14[%dma_wait3A_54, %dma_wait3A_55] : memref<40x128xi32, #tpu.memory_space<vmem>> -> memref<1x128xi32, #tpu.memory_space<vmem>>
      %dma_wait3A_57 = tpu.memref_squeeze %dma_wait3A_56 : memref<1x128xi32, #tpu.memory_space<vmem>> -> memref<128xi32, #tpu.memory_space<vmem>>
      %dma_wait3A_58 = arith.constant 0 : i32
      %dma_wait3A_59 = arith.constant 0 : i32
      %dma_wait3A_60 = tpu.memref_slice %arg18[%dma_wait3A_58, %dma_wait3A_59] : memref<10112x128xf32, #tpu.memory_space<vmem_shared>> -> memref<10112x128xf32, #tpu.memory_space<vmem_shared>>
      tpu.wait_indirect_dma semaphore(%arg22 : memref<!tpu.dma_semaphore, #tpu.memory_space<semaphore_mem>>) src(%arg16 : memref<128x128xf32, #tpu.memory_space<vmem>>) dst(%dma_wait3A_60 : memref<10112x128xf32, #tpu.memory_space<vmem_shared>>)
      %mul3A_61 = arith.constant 80 : i32
      %mul3A_62 = arith.muli %arg1, %mul3A_61 : i32
      %add3A_63 = arith.constant 40 : i32
      %add3A_64 = arith.addi %mul3A_62, %add3A_63 : i32
      %dma_start3A_65 = arith.constant 0 : i32
      %dma_start3A_66 = tpu.memref_slice %arg2[%add3A_64, %dma_start3A_65] : memref<1280x128xi32, #tpu.memory_space<hbm>> -> memref<40x128xi32, #tpu.memory_space<hbm>>
      %dma_start3A_67 = arith.constant 0 : i32
      %dma_start3A_68 = tpu.memref_slice %arg2[%add3A_64, %dma_start3A_67] : memref<1280x128xi32, #tpu.memory_space<hbm>> -> memref<40x128xi32, #tpu.memory_space<hbm>>
      tpu.enqueue_dma source(%dma_start3A_68 : memref<40x128xi32, #tpu.memory_space<hbm>>) target(%arg13 : memref<40x128xi32, #tpu.memory_space<vmem>>) target_semaphore(%arg20 : memref<!tpu.dma_semaphore, #tpu.memory_space<semaphore_mem>>)
      %mul3A_69 = arith.constant 80 : i32
      %mul3A_70 = arith.muli %arg1, %mul3A_69 : i32
      %add3A_71 = arith.constant 40 : i32
      %add3A_72 = arith.addi %mul3A_70, %add3A_71 : i32
      %dma_start3A_73 = arith.constant 0 : i32
      %dma_start3A_74 = tpu.memref_slice %arg3[%add3A_72, %dma_start3A_73] : memref<1280x128xi32, #tpu.memory_space<hbm>> -> memref<40x128xi32, #tpu.memory_space<hbm>>
      %dma_start3A_75 = arith.constant 0 : i32
      %dma_start3A_76 = tpu.memref_slice %arg3[%add3A_72, %dma_start3A_75] : memref<1280x128xi32, #tpu.memory_space<hbm>> -> memref<40x128xi32, #tpu.memory_space<hbm>>
      tpu.enqueue_dma source(%dma_start3A_76 : memref<40x128xi32, #tpu.memory_space<hbm>>) target(%arg14 : memref<40x128xi32, #tpu.memory_space<vmem>>) target_semaphore(%arg20 : memref<!tpu.dma_semaphore, #tpu.memory_space<semaphore_mem>>)
      %dma_wait3A_77 = arith.constant 0 : i32
      %dma_wait3A_78 = tpu.memref_slice %arg2[%add3A_64, %dma_wait3A_77] : memref<1280x128xi32, #tpu.memory_space<hbm>> -> memref<40x128xi32, #tpu.memory_space<hbm>>
      %dma_wait3A_79 = arith.constant 0 : i32
      %dma_wait3A_80 = tpu.memref_slice %arg2[%add3A_64, %dma_wait3A_79] : memref<1280x128xi32, #tpu.memory_space<hbm>> -> memref<40x128xi32, #tpu.memory_space<hbm>>
      tpu.wait_dma2 semaphore(%arg20 : memref<!tpu.dma_semaphore, #tpu.memory_space<semaphore_mem>>) src(%dma_wait3A_80 : memref<40x128xi32, #tpu.memory_space<hbm>>) dst(%arg13 : memref<40x128xi32, #tpu.memory_space<vmem>>)
      %dma_wait3A_81 = arith.constant 0 : i32
      %dma_wait3A_82 = tpu.memref_slice %arg3[%add3A_72, %dma_wait3A_81] : memref<1280x128xi32, #tpu.memory_space<hbm>> -> memref<40x128xi32, #tpu.memory_space<hbm>>
      %dma_wait3A_83 = arith.constant 0 : i32
      %dma_wait3A_84 = tpu.memref_slice %arg3[%add3A_72, %dma_wait3A_83] : memref<1280x128xi32, #tpu.memory_space<hbm>> -> memref<40x128xi32, #tpu.memory_space<hbm>>
      tpu.wait_dma2 semaphore(%arg20 : memref<!tpu.dma_semaphore, #tpu.memory_space<semaphore_mem>>) src(%dma_wait3A_84 : memref<40x128xi32, #tpu.memory_space<hbm>>) dst(%arg14 : memref<40x128xi32, #tpu.memory_space<vmem>>)
      %scan3A_85 = arith.constant 0 : i32
      %scan3A_86 = arith.constant 0 : i32
      %scan3A_87 = arith.constant 40 : i32
      %scan3A_88 = arith.addi %scan3A_86, %scan3A_87 : i32
      %scan3A_89 = arith.constant 1 : i32
      scf.for %scan3A_129 = %scan3A_86 to %scan3A_88 step %scan3A_89  : i32 {
        %dma_start3A_130 = arith.constant 0 : i32
        %dma_start3A_131 = tpu.memref_slice %arg17[%scan3A_129, %dma_start3A_130] : memref<40x128xf32, #tpu.memory_space<vmem>> -> memref<1x128xf32, #tpu.memory_space<vmem>>
        %dma_start3A_132 = tpu.memref_squeeze %dma_start3A_131 : memref<1x128xf32, #tpu.memory_space<vmem>> -> memref<128xf32, #tpu.memory_space<vmem>>
        %dma_start3A_133 = arith.constant 0 : i32
        %dma_start3A_134 = tpu.memref_slice %arg14[%scan3A_129, %dma_start3A_133] : memref<40x128xi32, #tpu.memory_space<vmem>> -> memref<1x128xi32, #tpu.memory_space<vmem>>
        %dma_start3A_135 = tpu.memref_squeeze %dma_start3A_134 : memref<1x128xi32, #tpu.memory_space<vmem>> -> memref<128xi32, #tpu.memory_space<vmem>>
        %dma_start3A_136 = arith.constant 0 : i32
        %dma_start3A_137 = tpu.memref_slice %arg6[%dma_start3A_136] : memref<10016xf32, #tpu.memory_space<hbm>> -> memref<10016xf32, #tpu.memory_space<hbm>>
        tpu.enqueue_indirect_dma source(%dma_start3A_137 : memref<10016xf32, #tpu.memory_space<hbm>>) target(%dma_start3A_132 : memref<128xf32, #tpu.memory_space<vmem>>) offsets(%dma_start3A_135 : memref<128xi32, #tpu.memory_space<vmem>>) semaphore(%arg23 : memref<!tpu.dma_semaphore, #tpu.memory_space<semaphore_mem>>)
      }
      %scan3A_90 = arith.constant 40 : i32
      %scan3A_91 = arith.constant 0 : i32
      %scan3A_92 = arith.constant 0 : i32
      %scan3A_93 = arith.constant 20 : i32
      %scan3A_94 = arith.addi %scan3A_92, %scan3A_93 : i32
      %scan3A_95 = arith.constant 1 : i32
      scf.for %scan3A_129 = %scan3A_92 to %scan3A_94 step %scan3A_95  : i32 {
        %mul3A_130 = arith.constant 2 : i32
        %mul3A_131 = arith.muli %mul3A_130, %scan3A_129 : i32
        %add3A_132 = arith.constant 0 : i32
        %add3A_133 = arith.addi %mul3A_131, %add3A_132 : i32
        %ge3A = arith.constant 1 : i32
        %ge3A_134 = arith.cmpi sge, %scan3A_129, %ge3A : i32
        %convert_element_type3A_135 = arith.extui %ge3A_134 : i1 to i32
        %cond3A_136 = arith.constant 0 : i32
        %cond3A_137 = arith.cmpi ne, %convert_element_type3A_135, %cond3A_136 : i32
        scf.if %cond3A_137 {
          %dma_wait3A_183 = arith.constant 0 : i32
          %dma_wait3A_184 = arith.constant 0 : i32
          %dma_wait3A_185 = tpu.memref_slice %arg14[%dma_wait3A_183, %dma_wait3A_184] : memref<40x128xi32, #tpu.memory_space<vmem>> -> memref<1x128xi32, #tpu.memory_space<vmem>>
          %dma_wait3A_186 = tpu.memref_squeeze %dma_wait3A_185 : memref<1x128xi32, #tpu.memory_space<vmem>> -> memref<128xi32, #tpu.memory_space<vmem>>
          %dma_wait3A_187 = arith.constant 0 : i32
          %dma_wait3A_188 = arith.constant 0 : i32
          %dma_wait3A_189 = tpu.memref_slice %arg18[%dma_wait3A_187, %dma_wait3A_188] : memref<10112x128xf32, #tpu.memory_space<vmem_shared>> -> memref<10112x128xf32, #tpu.memory_space<vmem_shared>>
          tpu.wait_indirect_dma semaphore(%arg21 : memref<!tpu.dma_semaphore, #tpu.memory_space<semaphore_mem>>) src(%arg15 : memref<128x128xf32, #tpu.memory_space<vmem>>) dst(%dma_wait3A_189 : memref<10112x128xf32, #tpu.memory_space<vmem_shared>>)
        } else {
        }
        %dma_start3A_138 = arith.constant 0 : i32
        %dma_start3A_139 = tpu.memref_slice %arg13[%add3A_133, %dma_start3A_138] : memref<40x128xi32, #tpu.memory_space<vmem>> -> memref<1x128xi32, #tpu.memory_space<vmem>>
        %dma_start3A_140 = tpu.memref_squeeze %dma_start3A_139 : memref<1x128xi32, #tpu.memory_space<vmem>> -> memref<128xi32, #tpu.memory_space<vmem>>
        %dma_start3A_141 = arith.constant 0 : i32
        %dma_start3A_142 = arith.constant 0 : i32
        %dma_start3A_143 = tpu.memref_slice %arg5[%dma_start3A_141, %dma_start3A_142] : memref<10016x128xf32, #tpu.memory_space<hbm>> -> memref<10016x128xf32, #tpu.memory_space<hbm>>
        tpu.enqueue_indirect_dma source(%dma_start3A_143 : memref<10016x128xf32, #tpu.memory_space<hbm>>) target(%arg15 : memref<128x128xf32, #tpu.memory_space<vmem>>) offsets(%dma_start3A_140 : memref<128xi32, #tpu.memory_space<vmem>>) semaphore(%arg20 : memref<!tpu.dma_semaphore, #tpu.memory_space<semaphore_mem>>)
        %dma_wait3A_144 = arith.constant 0 : i32
        %dma_wait3A_145 = tpu.memref_slice %arg13[%add3A_133, %dma_wait3A_144] : memref<40x128xi32, #tpu.memory_space<vmem>> -> memref<1x128xi32, #tpu.memory_space<vmem>>
        %dma_wait3A_146 = tpu.memref_squeeze %dma_wait3A_145 : memref<1x128xi32, #tpu.memory_space<vmem>> -> memref<128xi32, #tpu.memory_space<vmem>>
        %dma_wait3A_147 = arith.constant 0 : i32
        %dma_wait3A_148 = arith.constant 0 : i32
        %dma_wait3A_149 = tpu.memref_slice %arg5[%dma_wait3A_147, %dma_wait3A_148] : memref<10016x128xf32, #tpu.memory_space<hbm>> -> memref<10016x128xf32, #tpu.memory_space<hbm>>
        tpu.wait_indirect_dma semaphore(%arg20 : memref<!tpu.dma_semaphore, #tpu.memory_space<semaphore_mem>>) src(%dma_wait3A_149 : memref<10016x128xf32, #tpu.memory_space<hbm>>) dst(%arg15 : memref<128x128xf32, #tpu.memory_space<vmem>>)
        %dma_start3A_150 = arith.constant 0 : i32
        %dma_start3A_151 = tpu.memref_slice %arg14[%add3A_133, %dma_start3A_150] : memref<40x128xi32, #tpu.memory_space<vmem>> -> memref<1x128xi32, #tpu.memory_space<vmem>>
        %dma_start3A_152 = tpu.memref_squeeze %dma_start3A_151 : memref<1x128xi32, #tpu.memory_space<vmem>> -> memref<128xi32, #tpu.memory_space<vmem>>
        %dma_start3A_153 = arith.constant 0 : i32
        %dma_start3A_154 = arith.constant 0 : i32
        %dma_start3A_155 = tpu.memref_slice %arg18[%dma_start3A_153, %dma_start3A_154] : memref<10112x128xf32, #tpu.memory_space<vmem_shared>> -> memref<10112x128xf32, #tpu.memory_space<vmem_shared>>
        tpu.enqueue_indirect_dma source(%arg15 : memref<128x128xf32, #tpu.memory_space<vmem>>) target(%dma_start3A_155 : memref<10112x128xf32, #tpu.memory_space<vmem_shared>>) offsets(%dma_start3A_152 : memref<128xi32, #tpu.memory_space<vmem>>) semaphore(%arg21 : memref<!tpu.dma_semaphore, #tpu.memory_space<semaphore_mem>>) {add = true}
        %mul3A_156 = arith.constant 2 : i32
        %mul3A_157 = arith.muli %mul3A_156, %scan3A_129 : i32
        %add3A_158 = arith.constant 1 : i32
        %add3A_159 = arith.addi %mul3A_157, %add3A_158 : i32
        %ge3A_160 = arith.constant 1 : i32
        %ge3A_161 = arith.cmpi sge, %scan3A_129, %ge3A_160 : i32
        %convert_element_type3A_162 = arith.extui %ge3A_161 : i1 to i32
        %cond3A_163 = arith.constant 0 : i32
        %cond3A_164 = arith.cmpi ne, %convert_element_type3A_162, %cond3A_163 : i32
        scf.if %cond3A_164 {
          %dma_wait3A_183 = arith.constant 0 : i32
          %dma_wait3A_184 = arith.constant 0 : i32
          %dma_wait3A_185 = tpu.memref_slice %arg14[%dma_wait3A_183, %dma_wait3A_184] : memref<40x128xi32, #tpu.memory_space<vmem>> -> memref<1x128xi32, #tpu.memory_space<vmem>>
          %dma_wait3A_186 = tpu.memref_squeeze %dma_wait3A_185 : memref<1x128xi32, #tpu.memory_space<vmem>> -> memref<128xi32, #tpu.memory_space<vmem>>
          %dma_wait3A_187 = arith.constant 0 : i32
          %dma_wait3A_188 = arith.constant 0 : i32
          %dma_wait3A_189 = tpu.memref_slice %arg18[%dma_wait3A_187, %dma_wait3A_188] : memref<10112x128xf32, #tpu.memory_space<vmem_shared>> -> memref<10112x128xf32, #tpu.memory_space<vmem_shared>>
          tpu.wait_indirect_dma semaphore(%arg22 : memref<!tpu.dma_semaphore, #tpu.memory_space<semaphore_mem>>) src(%arg16 : memref<128x128xf32, #tpu.memory_space<vmem>>) dst(%dma_wait3A_189 : memref<10112x128xf32, #tpu.memory_space<vmem_shared>>)
        } else {
        }
        %dma_start3A_165 = arith.constant 0 : i32
        %dma_start3A_166 = tpu.memref_slice %arg13[%add3A_159, %dma_start3A_165] : memref<40x128xi32, #tpu.memory_space<vmem>> -> memref<1x128xi32, #tpu.memory_space<vmem>>
        %dma_start3A_167 = tpu.memref_squeeze %dma_start3A_166 : memref<1x128xi32, #tpu.memory_space<vmem>> -> memref<128xi32, #tpu.memory_space<vmem>>
        %dma_start3A_168 = arith.constant 0 : i32
        %dma_start3A_169 = arith.constant 0 : i32
        %dma_start3A_170 = tpu.memref_slice %arg5[%dma_start3A_168, %dma_start3A_169] : memref<10016x128xf32, #tpu.memory_space<hbm>> -> memref<10016x128xf32, #tpu.memory_space<hbm>>
        tpu.enqueue_indirect_dma source(%dma_start3A_170 : memref<10016x128xf32, #tpu.memory_space<hbm>>) target(%arg16 : memref<128x128xf32, #tpu.memory_space<vmem>>) offsets(%dma_start3A_167 : memref<128xi32, #tpu.memory_space<vmem>>) semaphore(%arg20 : memref<!tpu.dma_semaphore, #tpu.memory_space<semaphore_mem>>)
        %dma_wait3A_171 = arith.constant 0 : i32
        %dma_wait3A_172 = tpu.memref_slice %arg13[%add3A_159, %dma_wait3A_171] : memref<40x128xi32, #tpu.memory_space<vmem>> -> memref<1x128xi32, #tpu.memory_space<vmem>>
        %dma_wait3A_173 = tpu.memref_squeeze %dma_wait3A_172 : memref<1x128xi32, #tpu.memory_space<vmem>> -> memref<128xi32, #tpu.memory_space<vmem>>
        %dma_wait3A_174 = arith.constant 0 : i32
        %dma_wait3A_175 = arith.constant 0 : i32
        %dma_wait3A_176 = tpu.memref_slice %arg5[%dma_wait3A_174, %dma_wait3A_175] : memref<10016x128xf32, #tpu.memory_space<hbm>> -> memref<10016x128xf32, #tpu.memory_space<hbm>>
        tpu.wait_indirect_dma semaphore(%arg20 : memref<!tpu.dma_semaphore, #tpu.memory_space<semaphore_mem>>) src(%dma_wait3A_176 : memref<10016x128xf32, #tpu.memory_space<hbm>>) dst(%arg16 : memref<128x128xf32, #tpu.memory_space<vmem>>)
        %dma_start3A_177 = arith.constant 0 : i32
        %dma_start3A_178 = tpu.memref_slice %arg14[%add3A_159, %dma_start3A_177] : memref<40x128xi32, #tpu.memory_space<vmem>> -> memref<1x128xi32, #tpu.memory_space<vmem>>
        %dma_start3A_179 = tpu.memref_squeeze %dma_start3A_178 : memref<1x128xi32, #tpu.memory_space<vmem>> -> memref<128xi32, #tpu.memory_space<vmem>>
        %dma_start3A_180 = arith.constant 0 : i32
        %dma_start3A_181 = arith.constant 0 : i32
        %dma_start3A_182 = tpu.memref_slice %arg18[%dma_start3A_180, %dma_start3A_181] : memref<10112x128xf32, #tpu.memory_space<vmem_shared>> -> memref<10112x128xf32, #tpu.memory_space<vmem_shared>>
        tpu.enqueue_indirect_dma source(%arg16 : memref<128x128xf32, #tpu.memory_space<vmem>>) target(%dma_start3A_182 : memref<10112x128xf32, #tpu.memory_space<vmem_shared>>) offsets(%dma_start3A_179 : memref<128xi32, #tpu.memory_space<vmem>>) semaphore(%arg22 : memref<!tpu.dma_semaphore, #tpu.memory_space<semaphore_mem>>) {add = true}
      }
      %scan3A_96 = arith.constant 20 : i32
      %scan3A_97 = arith.constant 0 : i32
      %scan3A_98 = arith.constant 0 : i32
      %scan3A_99 = arith.constant 40 : i32
      %scan3A_100 = arith.addi %scan3A_98, %scan3A_99 : i32
      %scan3A_101 = arith.constant 1 : i32
      scf.for %scan3A_129 = %scan3A_98 to %scan3A_100 step %scan3A_101  : i32 {
        %dma_wait3A_130 = arith.constant 0 : i32
        %dma_wait3A_131 = arith.constant 0 : i32
        %dma_wait3A_132 = arith.constant 0 : i32
        %dma_wait3A_133 = tpu.memref_slice %arg17[%dma_wait3A_131, %dma_wait3A_132] : memref<40x128xf32, #tpu.memory_space<vmem>> -> memref<1x128xf32, #tpu.memory_space<vmem>>
        %dma_wait3A_134 = tpu.memref_squeeze %dma_wait3A_133 : memref<1x128xf32, #tpu.memory_space<vmem>> -> memref<128xf32, #tpu.memory_space<vmem>>
        %dma_wait3A_135 = arith.constant 0 : i32
        %dma_wait3A_136 = tpu.memref_slice %arg14[%dma_wait3A_130, %dma_wait3A_135] : memref<40x128xi32, #tpu.memory_space<vmem>> -> memref<1x128xi32, #tpu.memory_space<vmem>>
        %dma_wait3A_137 = tpu.memref_squeeze %dma_wait3A_136 : memref<1x128xi32, #tpu.memory_space<vmem>> -> memref<128xi32, #tpu.memory_space<vmem>>
        %dma_wait3A_138 = arith.constant 0 : i32
        %dma_wait3A_139 = tpu.memref_slice %arg6[%dma_wait3A_138] : memref<10016xf32, #tpu.memory_space<hbm>> -> memref<10016xf32, #tpu.memory_space<hbm>>
        tpu.wait_indirect_dma semaphore(%arg23 : memref<!tpu.dma_semaphore, #tpu.memory_space<semaphore_mem>>) src(%dma_wait3A_139 : memref<10016xf32, #tpu.memory_space<hbm>>) dst(%dma_wait3A_134 : memref<128xf32, #tpu.memory_space<vmem>>)
      }
      %scan3A_102 = arith.constant 40 : i32
      %scan3A_103 = arith.constant 0 : i32
      %scan3A_104 = arith.constant 0 : i32
      %scan3A_105 = arith.constant 40 : i32
      %scan3A_106 = arith.addi %scan3A_104, %scan3A_105 : i32
      %scan3A_107 = arith.constant 1 : i32
      scf.for %scan3A_129 = %scan3A_104 to %scan3A_106 step %scan3A_107  : i32 {
        %dma_start3A_130 = arith.constant 0 : i32
        %dma_start3A_131 = tpu.memref_slice %arg17[%scan3A_129, %dma_start3A_130] : memref<40x128xf32, #tpu.memory_space<vmem>> -> memref<1x128xf32, #tpu.memory_space<vmem>>
        %dma_start3A_132 = tpu.memref_squeeze %dma_start3A_131 : memref<1x128xf32, #tpu.memory_space<vmem>> -> memref<128xf32, #tpu.memory_space<vmem>>
        %dma_start3A_133 = arith.constant 0 : i32
        %dma_start3A_134 = tpu.memref_slice %arg13[%scan3A_129, %dma_start3A_133] : memref<40x128xi32, #tpu.memory_space<vmem>> -> memref<1x128xi32, #tpu.memory_space<vmem>>
        %dma_start3A_135 = tpu.memref_squeeze %dma_start3A_134 : memref<1x128xi32, #tpu.memory_space<vmem>> -> memref<128xi32, #tpu.memory_space<vmem>>
        %dma_start3A_136 = arith.constant 0 : i32
        %dma_start3A_137 = tpu.memref_slice %arg19[%dma_start3A_136] : memref<10240xf32, #tpu.memory_space<vmem_shared>> -> memref<10240xf32, #tpu.memory_space<vmem_shared>>
        tpu.enqueue_indirect_dma source(%dma_start3A_132 : memref<128xf32, #tpu.memory_space<vmem>>) target(%dma_start3A_137 : memref<10240xf32, #tpu.memory_space<vmem_shared>>) offsets(%dma_start3A_135 : memref<128xi32, #tpu.memory_space<vmem>>) semaphore(%arg23 : memref<!tpu.dma_semaphore, #tpu.memory_space<semaphore_mem>>) {add = true}
      }
      %scan3A_108 = arith.constant 40 : i32
      %scan3A_109 = arith.constant 0 : i32
      %scan3A_110 = arith.constant 0 : i32
      %scan3A_111 = arith.constant 40 : i32
      %scan3A_112 = arith.addi %scan3A_110, %scan3A_111 : i32
      %scan3A_113 = arith.constant 1 : i32
      scf.for %scan3A_129 = %scan3A_110 to %scan3A_112 step %scan3A_113  : i32 {
        %dma_wait3A_130 = arith.constant 0 : i32
        %dma_wait3A_131 = arith.constant 0 : i32
        %dma_wait3A_132 = arith.constant 0 : i32
        %dma_wait3A_133 = tpu.memref_slice %arg17[%dma_wait3A_131, %dma_wait3A_132] : memref<40x128xf32, #tpu.memory_space<vmem>> -> memref<1x128xf32, #tpu.memory_space<vmem>>
        %dma_wait3A_134 = tpu.memref_squeeze %dma_wait3A_133 : memref<1x128xf32, #tpu.memory_space<vmem>> -> memref<128xf32, #tpu.memory_space<vmem>>
        %dma_wait3A_135 = arith.constant 0 : i32
        %dma_wait3A_136 = tpu.memref_slice %arg14[%dma_wait3A_130, %dma_wait3A_135] : memref<40x128xi32, #tpu.memory_space<vmem>> -> memref<1x128xi32, #tpu.memory_space<vmem>>
        %dma_wait3A_137 = tpu.memref_squeeze %dma_wait3A_136 : memref<1x128xi32, #tpu.memory_space<vmem>> -> memref<128xi32, #tpu.memory_space<vmem>>
        %dma_wait3A_138 = arith.constant 0 : i32
        %dma_wait3A_139 = tpu.memref_slice %arg6[%dma_wait3A_138] : memref<10016xf32, #tpu.memory_space<hbm>> -> memref<10016xf32, #tpu.memory_space<hbm>>
        tpu.wait_indirect_dma semaphore(%arg23 : memref<!tpu.dma_semaphore, #tpu.memory_space<semaphore_mem>>) src(%dma_wait3A_139 : memref<10016xf32, #tpu.memory_space<hbm>>) dst(%dma_wait3A_134 : memref<128xf32, #tpu.memory_space<vmem>>)
      }
      %scan3A_114 = arith.constant 40 : i32
      %dma_wait3A_115 = arith.constant 0 : i32
      %dma_wait3A_116 = arith.constant 0 : i32
      %dma_wait3A_117 = tpu.memref_slice %arg14[%dma_wait3A_115, %dma_wait3A_116] : memref<40x128xi32, #tpu.memory_space<vmem>> -> memref<1x128xi32, #tpu.memory_space<vmem>>
      %dma_wait3A_118 = tpu.memref_squeeze %dma_wait3A_117 : memref<1x128xi32, #tpu.memory_space<vmem>> -> memref<128xi32, #tpu.memory_space<vmem>>
      %dma_wait3A_119 = arith.constant 0 : i32
      %dma_wait3A_120 = arith.constant 0 : i32
      %dma_wait3A_121 = tpu.memref_slice %arg18[%dma_wait3A_119, %dma_wait3A_120] : memref<10112x128xf32, #tpu.memory_space<vmem_shared>> -> memref<10112x128xf32, #tpu.memory_space<vmem_shared>>
      tpu.wait_indirect_dma semaphore(%arg21 : memref<!tpu.dma_semaphore, #tpu.memory_space<semaphore_mem>>) src(%arg15 : memref<128x128xf32, #tpu.memory_space<vmem>>) dst(%dma_wait3A_121 : memref<10112x128xf32, #tpu.memory_space<vmem_shared>>)
      %dma_wait3A_122 = arith.constant 0 : i32
      %dma_wait3A_123 = arith.constant 0 : i32
      %dma_wait3A_124 = tpu.memref_slice %arg14[%dma_wait3A_122, %dma_wait3A_123] : memref<40x128xi32, #tpu.memory_space<vmem>> -> memref<1x128xi32, #tpu.memory_space<vmem>>
      %dma_wait3A_125 = tpu.memref_squeeze %dma_wait3A_124 : memref<1x128xi32, #tpu.memory_space<vmem>> -> memref<128xi32, #tpu.memory_space<vmem>>
      %dma_wait3A_126 = arith.constant 0 : i32
      %dma_wait3A_127 = arith.constant 0 : i32
      %dma_wait3A_128 = tpu.memref_slice %arg18[%dma_wait3A_126, %dma_wait3A_127] : memref<10112x128xf32, #tpu.memory_space<vmem_shared>> -> memref<10112x128xf32, #tpu.memory_space<vmem_shared>>
      tpu.wait_indirect_dma semaphore(%arg22 : memref<!tpu.dma_semaphore, #tpu.memory_space<semaphore_mem>>) src(%arg16 : memref<128x128xf32, #tpu.memory_space<vmem>>) dst(%dma_wait3A_128 : memref<10112x128xf32, #tpu.memory_space<vmem_shared>>)
    } else {
    }
    %barrier3A_10 = arith.constant 0 : index
    tpu.barrier barrier_id(%barrier3A_10)
    %eq3A_11 = arith.constant 0 : i32
    %eq3A_12 = arith.cmpi eq, %arg0, %eq3A_11 : i32
    %convert_element_type3A_13 = arith.extui %eq3A_12 : i1 to i32
    %cond3A_14 = arith.constant 0 : i32
    %cond3A_15 = arith.cmpi ne, %convert_element_type3A_13, %cond3A_14 : i32
    scf.if %cond3A_15 {
      "tpu.region"() ({
        %run_scoped3A = tpu.sem_alloc : memref<!tpu.dma_semaphore, #tpu.memory_space<semaphore_mem>>
        %dma_start3A = arith.constant 0 : i32
        %dma_start3A_21 = tpu.memref_slice %arg9[%mul3A_0, %dma_start3A] : memref<10112x128xf32, #tpu.memory_space<hbm>> -> memref<632x128xf32, #tpu.memory_space<hbm>>
        %dma_start3A_22 = arith.constant 0 : i32
        %dma_start3A_23 = tpu.memref_slice %arg18[%mul3A_0, %dma_start3A_22] : memref<10112x128xf32, #tpu.memory_space<vmem_shared>> -> memref<632x128xf32, #tpu.memory_space<vmem_shared>>
        tpu.enqueue_dma source(%dma_start3A_23 : memref<632x128xf32, #tpu.memory_space<vmem_shared>>) target(%dma_start3A_21 : memref<632x128xf32, #tpu.memory_space<hbm>>) target_semaphore(%run_scoped3A : memref<!tpu.dma_semaphore, #tpu.memory_space<semaphore_mem>>)
        %dma_wait3A = arith.constant 0 : i32
        %dma_wait3A_24 = tpu.memref_slice %arg9[%mul3A_0, %dma_wait3A] : memref<10112x128xf32, #tpu.memory_space<hbm>> -> memref<632x128xf32, #tpu.memory_space<hbm>>
        %dma_wait3A_25 = arith.constant 0 : i32
        %dma_wait3A_26 = tpu.memref_slice %arg18[%mul3A_0, %dma_wait3A_25] : memref<10112x128xf32, #tpu.memory_space<vmem_shared>> -> memref<632x128xf32, #tpu.memory_space<vmem_shared>>
        tpu.wait_dma2 semaphore(%run_scoped3A : memref<!tpu.dma_semaphore, #tpu.memory_space<semaphore_mem>>) src(%dma_wait3A_26 : memref<632x128xf32, #tpu.memory_space<vmem_shared>>) dst(%dma_wait3A_24 : memref<632x128xf32, #tpu.memory_space<hbm>>)
        tpu.yield
      }) : () -> ()
      "tpu.region"() ({
        %run_scoped3A = tpu.sem_alloc : memref<!tpu.dma_semaphore, #tpu.memory_space<semaphore_mem>>
        %dma_start3A = tpu.memref_slice %arg11[%mul3A_2] : memref<10240xf32, #tpu.memory_space<hbm>> -> memref<640xf32, #tpu.memory_space<hbm>>
        %dma_start3A_21 = tpu.memref_slice %arg19[%mul3A_2] : memref<10240xf32, #tpu.memory_space<vmem_shared>> -> memref<640xf32, #tpu.memory_space<vmem_shared>>
        tpu.enqueue_dma source(%dma_start3A_21 : memref<640xf32, #tpu.memory_space<vmem_shared>>) target(%dma_start3A : memref<640xf32, #tpu.memory_space<hbm>>) target_semaphore(%run_scoped3A : memref<!tpu.dma_semaphore, #tpu.memory_space<semaphore_mem>>)
        %dma_wait3A = tpu.memref_slice %arg11[%mul3A_2] : memref<10240xf32, #tpu.memory_space<hbm>> -> memref<640xf32, #tpu.memory_space<hbm>>
        %dma_wait3A_22 = tpu.memref_slice %arg19[%mul3A_2] : memref<10240xf32, #tpu.memory_space<vmem_shared>> -> memref<640xf32, #tpu.memory_space<vmem_shared>>
        tpu.wait_dma2 semaphore(%run_scoped3A : memref<!tpu.dma_semaphore, #tpu.memory_space<semaphore_mem>>) src(%dma_wait3A_22 : memref<640xf32, #tpu.memory_space<vmem_shared>>) dst(%dma_wait3A : memref<640xf32, #tpu.memory_space<hbm>>)
        tpu.yield
      }) : () -> ()
    } else {
    }
    %eq3A_16 = arith.constant 1 : i32
    %eq3A_17 = arith.cmpi eq, %arg0, %eq3A_16 : i32
    %convert_element_type3A_18 = arith.extui %eq3A_17 : i1 to i32
    %cond3A_19 = arith.constant 0 : i32
    %cond3A_20 = arith.cmpi ne, %convert_element_type3A_18, %cond3A_19 : i32
    scf.if %cond3A_20 {
      "tpu.region"() ({
        %run_scoped3A = tpu.sem_alloc : memref<!tpu.dma_semaphore, #tpu.memory_space<semaphore_mem>>
        %dma_start3A = arith.constant 0 : i32
        %dma_start3A_21 = tpu.memref_slice %arg10[%mul3A_0, %dma_start3A] : memref<10112x128xf32, #tpu.memory_space<hbm>> -> memref<632x128xf32, #tpu.memory_space<hbm>>
        %dma_start3A_22 = arith.constant 0 : i32
        %dma_start3A_23 = tpu.memref_slice %arg18[%mul3A_0, %dma_start3A_22] : memref<10112x128xf32, #tpu.memory_space<vmem_shared>> -> memref<632x128xf32, #tpu.memory_space<vmem_shared>>
        tpu.enqueue_dma source(%dma_start3A_23 : memref<632x128xf32, #tpu.memory_space<vmem_shared>>) target(%dma_start3A_21 : memref<632x128xf32, #tpu.memory_space<hbm>>) target_semaphore(%run_scoped3A : memref<!tpu.dma_semaphore, #tpu.memory_space<semaphore_mem>>)
        %dma_wait3A = arith.constant 0 : i32
        %dma_wait3A_24 = tpu.memref_slice %arg10[%mul3A_0, %dma_wait3A] : memref<10112x128xf32, #tpu.memory_space<hbm>> -> memref<632x128xf32, #tpu.memory_space<hbm>>
        %dma_wait3A_25 = arith.constant 0 : i32
        %dma_wait3A_26 = tpu.memref_slice %arg18[%mul3A_0, %dma_wait3A_25] : memref<10112x128xf32, #tpu.memory_space<vmem_shared>> -> memref<632x128xf32, #tpu.memory_space<vmem_shared>>
        tpu.wait_dma2 semaphore(%run_scoped3A : memref<!tpu.dma_semaphore, #tpu.memory_space<semaphore_mem>>) src(%dma_wait3A_26 : memref<632x128xf32, #tpu.memory_space<vmem_shared>>) dst(%dma_wait3A_24 : memref<632x128xf32, #tpu.memory_space<hbm>>)
        tpu.yield
      }) : () -> ()
      "tpu.region"() ({
        %run_scoped3A = tpu.sem_alloc : memref<!tpu.dma_semaphore, #tpu.memory_space<semaphore_mem>>
        %dma_start3A = tpu.memref_slice %arg12[%mul3A_2] : memref<10240xf32, #tpu.memory_space<hbm>> -> memref<640xf32, #tpu.memory_space<hbm>>
        %dma_start3A_21 = tpu.memref_slice %arg19[%mul3A_2] : memref<10240xf32, #tpu.memory_space<vmem_shared>> -> memref<640xf32, #tpu.memory_space<vmem_shared>>
        tpu.enqueue_dma source(%dma_start3A_21 : memref<640xf32, #tpu.memory_space<vmem_shared>>) target(%dma_start3A : memref<640xf32, #tpu.memory_space<hbm>>) target_semaphore(%run_scoped3A : memref<!tpu.dma_semaphore, #tpu.memory_space<semaphore_mem>>)
        %dma_wait3A = tpu.memref_slice %arg12[%mul3A_2] : memref<10240xf32, #tpu.memory_space<hbm>> -> memref<640xf32, #tpu.memory_space<hbm>>
        %dma_wait3A_22 = tpu.memref_slice %arg19[%mul3A_2] : memref<10240xf32, #tpu.memory_space<vmem_shared>> -> memref<640xf32, #tpu.memory_space<vmem_shared>>
        tpu.wait_dma2 semaphore(%run_scoped3A : memref<!tpu.dma_semaphore, #tpu.memory_space<semaphore_mem>>) src(%dma_wait3A_22 : memref<640xf32, #tpu.memory_space<vmem_shared>>) dst(%dma_wait3A : memref<640xf32, #tpu.memory_space<hbm>>)
        tpu.yield
      }) : () -> ()
    } else {
    }
    return
  }
}

module attributes {stable_mosaic.version = 14 : i64} {
  func.func @_tc_prep_body(%arg0: i32, %arg1: memref<1000x1xf32, #tpu.memory_space<vmem>>, %arg2: memref<1000x1xf32, #tpu.memory_space<vmem>>, %arg3: memref<1000x256xf32, #tpu.memory_space<vmem>>, %arg4: memref<1000x128xf32, #tpu.memory_space<vmem>>, %arg5: memref<1000x128xf32, #tpu.memory_space<vmem>>, %arg6: memref<1000x1xf32, #tpu.memory_space<vmem>>, %arg7: memref<1000x1xf32, #tpu.memory_space<vmem>>) attributes {dimension_semantics = [#tpu.dimension_semantics<arbitrary>], iteration_bounds = array<i64: 10>, scalar_prefetch = 0 : i64, scratch_operands = 0 : i64, tpu.core_type = #tpu.core_type<tc>, window_params = [{transform_indices = @transform_0, window_bounds = array<i64: 1000, 1>}, {transform_indices = @transform_1, window_bounds = array<i64: 1000, 1>}, {transform_indices = @transform_2, window_bounds = array<i64: 1000, 256>}, {transform_indices = @transform_3, window_bounds = array<i64: 1000, 128>}, {transform_indices = @transform_4, window_bounds = array<i64: 1000, 128>}, {transform_indices = @transform_5, window_bounds = array<i64: 1000, 1>}, {transform_indices = @transform_6, window_bounds = array<i64: 1000, 1>}]} {
    %get3A = arith.constant 0 : index
    %get3A_0 = arith.constant 0 : index
    %get3A_1 = vector.load %arg1[%get3A, %get3A_0] : memref<1000x1xf32, #tpu.memory_space<vmem>>, vector<1000x1xf32>
    %get3A_2 = arith.constant 0 : index
    %get3A_3 = arith.constant 0 : index
    %get3A_4 = vector.load %arg2[%get3A_2, %get3A_3] : memref<1000x1xf32, #tpu.memory_space<vmem>>, vector<1000x1xf32>
    %gt3A = arith.constant 0.000000e+00 : f32
    %gt3A_5 = vector.broadcast %gt3A : f32 to vector<1000x1xf32>
    %gt3A_6 = arith.cmpf ogt, %get3A_1, %gt3A_5 : vector<1000x1xf32>
    %max3A = arith.constant 1.000000e+00 : f32
    %max3A_7 = vector.broadcast %max3A : f32 to vector<1000x1xf32>
    %max3A_8 = arith.maximumf %get3A_1, %max3A_7 : vector<1000x1xf32>
    %rsqrt3A = math.rsqrt %max3A_8 : vector<1000x1xf32>
    %jit3A = arith.constant 0.000000e+00 : f32
    %broadcast_in_dim3A = vector.broadcast %jit3A : f32 to vector<1000x1xf32>
    %select_n3A = arith.select %gt3A_6, %rsqrt3A, %broadcast_in_dim3A : vector<1000x1xi1>, vector<1000x1xf32>
    %gt3A_9 = arith.constant 0.000000e+00 : f32
    %gt3A_10 = vector.broadcast %gt3A_9 : f32 to vector<1000x1xf32>
    %gt3A_11 = arith.cmpf ogt, %get3A_4, %gt3A_10 : vector<1000x1xf32>
    %max3A_12 = arith.constant 1.000000e+00 : f32
    %max3A_13 = vector.broadcast %max3A_12 : f32 to vector<1000x1xf32>
    %max3A_14 = arith.maximumf %get3A_4, %max3A_13 : vector<1000x1xf32>
    %rsqrt3A_15 = math.rsqrt %max3A_14 : vector<1000x1xf32>
    %jit3A_16 = arith.constant 0.000000e+00 : f32
    %broadcast_in_dim3A_17 = vector.broadcast %jit3A_16 : f32 to vector<1000x1xf32>
    %select_n3A_18 = arith.select %gt3A_11, %rsqrt3A_15, %broadcast_in_dim3A_17 : vector<1000x1xi1>, vector<1000x1xf32>
    %swap3A = arith.constant 0 : index
    %swap3A_19 = arith.constant 0 : index
    %swap3A_20 = vector.load %arg6[%swap3A, %swap3A_19] : memref<1000x1xf32, #tpu.memory_space<vmem>>, vector<1000x1xf32>
    tpu.vector_store %arg6[%swap3A, %swap3A_19], %select_n3A {strides = array<i32>} : memref<1000x1xf32, #tpu.memory_space<vmem>>, vector<1000x1xf32>,
    %swap3A_21 = arith.constant 0 : index
    %swap3A_22 = arith.constant 0 : index
    %swap3A_23 = vector.load %arg7[%swap3A_21, %swap3A_22] : memref<1000x1xf32, #tpu.memory_space<vmem>>, vector<1000x1xf32>
    tpu.vector_store %arg7[%swap3A_21, %swap3A_22], %select_n3A_18 {strides = array<i32>} : memref<1000x1xf32, #tpu.memory_space<vmem>>, vector<1000x1xf32>,
    %get3A_24 = arith.constant 0 : index
    %get3A_25 = arith.constant 0 : index
    %get3A_26 = vector.load %arg3[%get3A_24, %get3A_25] : memref<1000x256xf32, #tpu.memory_space<vmem>>, vector<1000x256xf32>
    %slice3A = vector.extract_strided_slice %get3A_26 {offsets = [0, 0], sizes = [1000, 128], strides = [1, 1]} : vector<1000x256xf32> to vector<1000x128xf32>
    %mul3A = vector.broadcast %select_n3A : vector<1000x1xf32> to vector<1000x128xf32>
    %mul3A_27 = arith.mulf %slice3A, %mul3A : vector<1000x128xf32>
    %swap3A_28 = arith.constant 0 : index
    %swap3A_29 = arith.constant 0 : index
    %swap3A_30 = vector.load %arg4[%swap3A_28, %swap3A_29] : memref<1000x128xf32, #tpu.memory_space<vmem>>, vector<1000x128xf32>
    tpu.vector_store %arg4[%swap3A_28, %swap3A_29], %mul3A_27 {strides = array<i32>} : memref<1000x128xf32, #tpu.memory_space<vmem>>, vector<1000x128xf32>,
    %slice3A_31 = vector.extract_strided_slice %get3A_26 {offsets = [0, 128], sizes = [1000, 128], strides = [1, 1]} : vector<1000x256xf32> to vector<1000x128xf32>
    %mul3A_32 = vector.broadcast %select_n3A : vector<1000x1xf32> to vector<1000x128xf32>
    %mul3A_33 = arith.mulf %slice3A_31, %mul3A_32 : vector<1000x128xf32>
    %swap3A_34 = arith.constant 0 : index
    %swap3A_35 = arith.constant 0 : index
    %swap3A_36 = vector.load %arg5[%swap3A_34, %swap3A_35] : memref<1000x128xf32, #tpu.memory_space<vmem>>, vector<1000x128xf32>
    tpu.vector_store %arg5[%swap3A_34, %swap3A_35], %mul3A_33 {strides = array<i32>} : memref<1000x128xf32, #tpu.memory_space<vmem>>, vector<1000x128xf32>,
    return
  }
  func.func @transform_0(%arg0: i32) -> (i32, i32) {
    %c0_i32 = arith.constant 0 : i32
    %c0_i32_0 = arith.constant 0 : i32
    return %arg0, %c0_i32 : i32, i32
  }
  func.func @transform_1(%arg0: i32) -> (i32, i32) {
    %c0_i32 = arith.constant 0 : i32
    %c0_i32_0 = arith.constant 0 : i32
    return %arg0, %c0_i32 : i32, i32
  }
  func.func @transform_2(%arg0: i32) -> (i32, i32) {
    %c0_i32 = arith.constant 0 : i32
    %c0_i32_0 = arith.constant 0 : i32
    return %arg0, %c0_i32 : i32, i32
  }
  func.func @transform_3(%arg0: i32) -> (i32, i32) {
    %c0_i32 = arith.constant 0 : i32
    %c0_i32_0 = arith.constant 0 : i32
    return %arg0, %c0_i32 : i32, i32
  }
  func.func @transform_4(%arg0: i32) -> (i32, i32) {
    %c0_i32 = arith.constant 0 : i32
    %c0_i32_0 = arith.constant 0 : i32
    return %arg0, %c0_i32 : i32, i32
  }
  func.func @transform_5(%arg0: i32) -> (i32, i32) {
    %c0_i32 = arith.constant 0 : i32
    %c0_i32_0 = arith.constant 0 : i32
    return %arg0, %c0_i32 : i32, i32
  }
  func.func @transform_6(%arg0: i32) -> (i32, i32) {
    %c0_i32 = arith.constant 0 : i32
    %c0_i32_0 = arith.constant 0 : i32
    return %arg0, %c0_i32 : i32, i32
  }
}

module attributes {stable_mosaic.version = 14 : i64} {
  func.func @_tc_final_body(%arg0: i32, %arg1: memref<1000x128xf32, #tpu.memory_space<vmem>>, %arg2: memref<1000x128xf32, #tpu.memory_space<vmem>>, %arg3: memref<1000x1xf32, #tpu.memory_space<vmem>>, %arg4: memref<1000x1xf32, #tpu.memory_space<vmem>>, %arg5: memref<1000x1xf32, #tpu.memory_space<vmem>>, %arg6: memref<1000x1xf32, #tpu.memory_space<vmem>>, %arg7: memref<128x512xf32, #tpu.memory_space<vmem>>, %arg8: memref<128x512xf32, #tpu.memory_space<vmem>>, %arg9: memref<1x512xf32, #tpu.memory_space<vmem>>, %arg10: memref<512x64xf32, #tpu.memory_space<vmem>>, %arg11: memref<1x64xf32, #tpu.memory_space<vmem>>, %arg12: memref<1x64xf32, #tpu.memory_space<vmem>>, %arg13: memref<1x512xf32, #tpu.memory_space<vmem>>) attributes {dimension_semantics = [#tpu.dimension_semantics<arbitrary>], iteration_bounds = array<i64: 10>, scalar_prefetch = 0 : i64, scratch_operands = 1 : i64, tpu.core_type = #tpu.core_type<tc>, window_params = [{transform_indices = @transform_0, window_bounds = array<i64: 1000, 128>}, {transform_indices = @transform_1, window_bounds = array<i64: 1000, 128>}, {transform_indices = @transform_2, window_bounds = array<i64: 1000, 1>}, {transform_indices = @transform_3, window_bounds = array<i64: 1000, 1>}, {transform_indices = @transform_4, window_bounds = array<i64: 1000, 1>}, {transform_indices = @transform_5, window_bounds = array<i64: 1000, 1>}, {pipeline_mode = #tpu.pipeline_mode<synchronous>, transform_indices = @transform_6, window_bounds = array<i64: 128, 512>}, {pipeline_mode = #tpu.pipeline_mode<synchronous>, transform_indices = @transform_7, window_bounds = array<i64: 128, 512>}, {pipeline_mode = #tpu.pipeline_mode<synchronous>, transform_indices = @transform_8, window_bounds = array<i64: 1, 512>}, {pipeline_mode = #tpu.pipeline_mode<synchronous>, transform_indices = @transform_9, window_bounds = array<i64: 512, 64>}, {pipeline_mode = #tpu.pipeline_mode<synchronous>, transform_indices = @transform_10, window_bounds = array<i64: 1, 64>}, {pipeline_mode = #tpu.pipeline_mode<synchronous>, transform_indices = @transform_11, window_bounds = array<i64: 1, 64>}]} {
    %get3A = arith.constant 0 : index
    %get3A_0 = arith.constant 0 : index
    %get3A_1 = vector.load %arg3[%get3A, %get3A_0] : memref<1000x1xf32, #tpu.memory_space<vmem>>, vector<1000x1xf32>
    %get3A_2 = arith.constant 0 : index
    %get3A_3 = arith.constant 0 : index
    %get3A_4 = vector.load %arg1[%get3A_2, %get3A_3] : memref<1000x128xf32, #tpu.memory_space<vmem>>, vector<1000x128xf32>
    %mul3A = vector.broadcast %get3A_1 : vector<1000x1xf32> to vector<1000x128xf32>
    %mul3A_5 = arith.mulf %get3A_4, %mul3A : vector<1000x128xf32>
    %get3A_6 = arith.constant 0 : index
    %get3A_7 = arith.constant 0 : index
    %get3A_8 = vector.load %arg7[%get3A_6, %get3A_7] : memref<128x512xf32, #tpu.memory_space<vmem>>, vector<128x512xf32>
    %dot_general3A = arith.constant dense<0.000000e+00> : vector<1000x512xf32>
    %dot_general3A_9 = tpu.matmul %mul3A_5, %get3A_8, %dot_general3A {dimension_numbers = #tpu.dot_dimension_numbers<[1], [0], [0], [1], [0, 0, 1, 1], [], []>, transpose_lhs_hint = false} : vector<1000x128xf32>, vector<128x512xf32>, vector<1000x512xf32> -> vector<1000x512xf32>
    %get3A_10 = arith.constant 0 : index
    %get3A_11 = arith.constant 0 : index
    %get3A_12 = vector.load %arg2[%get3A_10, %get3A_11] : memref<1000x128xf32, #tpu.memory_space<vmem>>, vector<1000x128xf32>
    %mul3A_13 = vector.broadcast %get3A_1 : vector<1000x1xf32> to vector<1000x128xf32>
    %mul3A_14 = arith.mulf %get3A_12, %mul3A_13 : vector<1000x128xf32>
    %get3A_15 = arith.constant 0 : index
    %get3A_16 = arith.constant 0 : index
    %get3A_17 = vector.load %arg8[%get3A_15, %get3A_16] : memref<128x512xf32, #tpu.memory_space<vmem>>, vector<128x512xf32>
    %dot_general3A_18 = arith.constant dense<0.000000e+00> : vector<1000x512xf32>
    %dot_general3A_19 = tpu.matmul %mul3A_14, %get3A_17, %dot_general3A_18 {dimension_numbers = #tpu.dot_dimension_numbers<[1], [0], [0], [1], [0, 0, 1, 1], [], []>, transpose_lhs_hint = false} : vector<1000x128xf32>, vector<128x512xf32>, vector<1000x512xf32> -> vector<1000x512xf32>
    %add3A = arith.addf %dot_general3A_9, %dot_general3A_19 : vector<1000x512xf32>
    %get3A_20 = arith.constant 0 : index
    %get3A_21 = arith.constant 0 : index
    %get3A_22 = vector.load %arg9[%get3A_20, %get3A_21] : memref<1x512xf32, #tpu.memory_space<vmem>>, vector<1x512xf32>
    %add3A_23 = vector.broadcast %get3A_22 : vector<1x512xf32> to vector<1000x512xf32>
    %add3A_24 = arith.addf %add3A, %add3A_23 : vector<1000x512xf32>
    %max3A = arith.constant 0.000000e+00 : f32
    %max3A_25 = vector.broadcast %max3A : f32 to vector<1000x512xf32>
    %max3A_26 = arith.maximumf %add3A_24, %max3A_25 : vector<1000x512xf32>
    %get3A_27 = arith.constant 0 : index
    %get3A_28 = arith.constant 0 : index
    %get3A_29 = vector.load %arg5[%get3A_27, %get3A_28] : memref<1000x1xf32, #tpu.memory_space<vmem>>, vector<1000x1xf32>
    %get3A_30 = arith.constant 0 : index
    %get3A_31 = arith.constant 0 : index
    %get3A_32 = vector.load %arg6[%get3A_30, %get3A_31] : memref<1000x1xf32, #tpu.memory_space<vmem>>, vector<1000x1xf32>
    %add3A_33 = arith.addf %get3A_29, %get3A_32 : vector<1000x1xf32>
    %get3A_34 = arith.constant 0 : index
    %get3A_35 = arith.constant 0 : index
    %get3A_36 = vector.load %arg4[%get3A_34, %get3A_35] : memref<1000x1xf32, #tpu.memory_space<vmem>>, vector<1000x1xf32>
    %mul3A_37 = arith.mulf %add3A_33, %get3A_36 : vector<1000x1xf32>
    %mul3A_38 = vector.broadcast %mul3A_37 : vector<1000x1xf32> to vector<1000x512xf32>
    %mul3A_39 = arith.mulf %max3A_26, %mul3A_38 : vector<1000x512xf32>
    %reduce_sum3A = arith.constant dense<0.000000e+00> : vector<512xf32>
    %reduce_sum3A_40 = vector.multi_reduction <add>, %mul3A_39, %reduce_sum3A [0] : vector<1000x512xf32> to vector<512xf32>
    %broadcast_in_dim3A = vector.shape_cast %reduce_sum3A_40 : vector<512xf32> to vector<1x512xf32>
    %eq3A = arith.constant 0 : i32
    %eq3A_41 = arith.cmpi eq, %arg0, %eq3A : i32
    %convert_element_type3A = arith.extui %eq3A_41 : i1 to i32
    %cond3A = arith.constant 0 : i32
    %cond3A_42 = arith.cmpi ne, %convert_element_type3A, %cond3A : i32
    scf.if %cond3A_42 {
      %swap3A = arith.constant 0 : index
      %swap3A_52 = arith.constant 0 : index
      %swap3A_53 = vector.load %arg13[%swap3A, %swap3A_52] : memref<1x512xf32, #tpu.memory_space<vmem>>, vector<1x512xf32>
      tpu.vector_store %arg13[%swap3A, %swap3A_52], %broadcast_in_dim3A {strides = array<i32>} : memref<1x512xf32, #tpu.memory_space<vmem>>, vector<1x512xf32>,
    } else {
    }
    %gt3A = arith.constant 0 : i32
    %gt3A_43 = arith.cmpi sgt, %arg0, %gt3A : i32
    %convert_element_type3A_44 = arith.extui %gt3A_43 : i1 to i32
    %cond3A_45 = arith.constant 0 : i32
    %cond3A_46 = arith.cmpi ne, %convert_element_type3A_44, %cond3A_45 : i32
    scf.if %cond3A_46 {
      %get3A_52 = arith.constant 0 : index
      %get3A_53 = arith.constant 0 : index
      %get3A_54 = vector.load %arg13[%get3A_52, %get3A_53] : memref<1x512xf32, #tpu.memory_space<vmem>>, vector<1x512xf32>
      %add3A_55 = arith.addf %get3A_54, %broadcast_in_dim3A : vector<1x512xf32>
      %swap3A = arith.constant 0 : index
      %swap3A_56 = arith.constant 0 : index
      %swap3A_57 = vector.load %arg13[%swap3A, %swap3A_56] : memref<1x512xf32, #tpu.memory_space<vmem>>, vector<1x512xf32>
      tpu.vector_store %arg13[%swap3A, %swap3A_56], %add3A_55 {strides = array<i32>} : memref<1x512xf32, #tpu.memory_space<vmem>>, vector<1x512xf32>,
    } else {
    }
    %eq3A_47 = arith.constant 9 : i32
    %eq3A_48 = arith.cmpi eq, %arg0, %eq3A_47 : i32
    %convert_element_type3A_49 = arith.extui %eq3A_48 : i1 to i32
    %cond3A_50 = arith.constant 0 : i32
    %cond3A_51 = arith.cmpi ne, %convert_element_type3A_49, %cond3A_50 : i32
    scf.if %cond3A_51 {
      %get3A_52 = arith.constant 0 : index
      %get3A_53 = arith.constant 0 : index
      %get3A_54 = vector.load %arg13[%get3A_52, %get3A_53] : memref<1x512xf32, #tpu.memory_space<vmem>>, vector<1x512xf32>
      %mul3A_55 = arith.constant 9.99999974E-5 : f32
      %mul3A_56 = vector.broadcast %mul3A_55 : f32 to vector<1x512xf32>
      %mul3A_57 = arith.mulf %get3A_54, %mul3A_56 : vector<1x512xf32>
      %get3A_58 = arith.constant 0 : index
      %get3A_59 = arith.constant 0 : index
      %get3A_60 = vector.load %arg10[%get3A_58, %get3A_59] : memref<512x64xf32, #tpu.memory_space<vmem>>, vector<512x64xf32>
      %dot_general3A_61 = arith.constant dense<0.000000e+00> : vector<1x64xf32>
      %dot_general3A_62 = tpu.matmul %mul3A_57, %get3A_60, %dot_general3A_61 {dimension_numbers = #tpu.dot_dimension_numbers<[1], [0], [0], [1], [0, 0, 1, 1], [], []>, transpose_lhs_hint = false} : vector<1x512xf32>, vector<512x64xf32>, vector<1x64xf32> -> vector<1x64xf32>
      %get3A_63 = arith.constant 0 : index
      %get3A_64 = arith.constant 0 : index
      %get3A_65 = vector.load %arg11[%get3A_63, %get3A_64] : memref<1x64xf32, #tpu.memory_space<vmem>>, vector<1x64xf32>
      %add3A_66 = arith.addf %dot_general3A_62, %get3A_65 : vector<1x64xf32>
      %swap3A = arith.constant 0 : index
      %swap3A_67 = arith.constant 0 : index
      %swap3A_68 = vector.load %arg12[%swap3A, %swap3A_67] : memref<1x64xf32, #tpu.memory_space<vmem>>, vector<1x64xf32>
      tpu.vector_store %arg12[%swap3A, %swap3A_67], %add3A_66 {strides = array<i32>} : memref<1x64xf32, #tpu.memory_space<vmem>>, vector<1x64xf32>,
    } else {
    }
    return
  }
  func.func @transform_0(%arg0: i32) -> (i32, i32) {
    %c0_i32 = arith.constant 0 : i32
    %c0_i32_0 = arith.constant 0 : i32
    return %arg0, %c0_i32 : i32, i32
  }
  func.func @transform_1(%arg0: i32) -> (i32, i32) {
    %c0_i32 = arith.constant 0 : i32
    %c0_i32_0 = arith.constant 0 : i32
    return %arg0, %c0_i32 : i32, i32
  }
  func.func @transform_2(%arg0: i32) -> (i32, i32) {
    %c0_i32 = arith.constant 0 : i32
    %c0_i32_0 = arith.constant 0 : i32
    return %arg0, %c0_i32 : i32, i32
  }
  func.func @transform_3(%arg0: i32) -> (i32, i32) {
    %c0_i32 = arith.constant 0 : i32
    %c0_i32_0 = arith.constant 0 : i32
    return %arg0, %c0_i32 : i32, i32
  }
  func.func @transform_4(%arg0: i32) -> (i32, i32) {
    %c0_i32 = arith.constant 0 : i32
    %c0_i32_0 = arith.constant 0 : i32
    return %arg0, %c0_i32 : i32, i32
  }
  func.func @transform_5(%arg0: i32) -> (i32, i32) {
    %c0_i32 = arith.constant 0 : i32
    %c0_i32_0 = arith.constant 0 : i32
    return %arg0, %c0_i32 : i32, i32
  }
  func.func @transform_6(%arg0: i32) -> (i32, i32) {
    %c0_i32 = arith.constant 0 : i32
    %c0_i32_0 = arith.constant 0 : i32
    %c0_i32_1 = arith.constant 0 : i32
    return %c0_i32, %c0_i32_0 : i32, i32
  }
  func.func @transform_7(%arg0: i32) -> (i32, i32) {
    %c0_i32 = arith.constant 0 : i32
    %c0_i32_0 = arith.constant 0 : i32
    %c0_i32_1 = arith.constant 0 : i32
    return %c0_i32, %c0_i32_0 : i32, i32
  }
  func.func @transform_8(%arg0: i32) -> (i32, i32) {
    %c0_i32 = arith.constant 0 : i32
    %c0_i32_0 = arith.constant 0 : i32
    %c0_i32_1 = arith.constant 0 : i32
    return %c0_i32, %c0_i32_0 : i32, i32
  }
  func.func @transform_9(%arg0: i32) -> (i32, i32) {
    %c0_i32 = arith.constant 0 : i32
    %c0_i32_0 = arith.constant 0 : i32
    %c0_i32_1 = arith.constant 0 : i32
    return %c0_i32, %c0_i32_0 : i32, i32
  }
  func.func @transform_10(%arg0: i32) -> (i32, i32) {
    %c0_i32 = arith.constant 0 : i32
    %c0_i32_0 = arith.constant 0 : i32
    %c0_i32_1 = arith.constant 0 : i32
    return %c0_i32, %c0_i32_0 : i32, i32
  }
  func.func @transform_11(%arg0: i32) -> (i32, i32) {
    %c0_i32 = arith.constant 0 : i32
    %c0_i32_0 = arith.constant 0 : i32
    %c0_i32_1 = arith.constant 0 : i32
    return %c0_i32, %c0_i32_0 : i32, i32
  }
}

</mosaic_0001>

<sc_bundles>
// kernel: kernel.6.cloned.1.call-start
scs
__scs_entry_jumppad:
0x0: {  	(pc) =	sbr.rel $0x88, $3  }
0x1: {  	(tag) =	ssettag $0x0;
	lr =	simm.s32 $0x1  }
0x2: {  	[smem:$0x3F9B] =	sst lr;
	_ =	strace $0xD0000000  }
0x3: {  	_ = 	snop  }
0x4: {  	_ = 	snop  }
0x5: {  	_ = 	snop  }
0x6: {  	_ = 	snop  }
0x7: {  	_ = 	snop  }
__scs_overlays_trampoline_lowered:
0x8: {  	[smem:$0x3FAA] =	sst s0  }
0x9: {  	[smem:$0x3FAB] =	sst s1  }
0xa: {  	[smem:$0x3FAC] =	sst s2  }
0xb: {  	[smem:$0x3FAD] =	sst s3  }
0xc: {  	[smem:$0x3FAE] =	sst s4  }
0xd: {  	[smem:$0x3FAF] =	sst s5  }
0xe: {  	[smem:$0x3FB0] =	sst s6  }
0xf: {  	[smem:$0x3FB1] =	sst s7  }
0x10: {  	[smem:$0x3FB2] =	sst s8  }
0x11: {  	[smem:$0x3FB3] =	sst s9;
	s0 =	simm.s32 @!p0 $0x0  }
0x12: {  	s1 =	sld [smem:$0x3F99];
	s0 =	simm.s32 @p0 $0x1  }
0x13: {  	[smem:$0x3FB4] =	sst s0;
	s0 =	simm.s32 @!p1 $0x0  }
0x14: {  	s2 =	sld [smem:$0x3F98];
	s0 =	simm.s32 @p1 $0x1  }
0x15: {  	[smem:$0x3FB5] =	sst s0;
	s0 =	simm.s32 @!p2 $0x0  }
0x16: {  	s3 =	sld [smem:$0x3FDB];
	s0 =	simm.s32 @p2 $0x1  }
0x17: {  	s4 =	simm.s32 $0x1BF5;
	[smem:$0x3FB7] =	sst s0  }
0x18: {  	s0 =	sld [smem:$0x3F9A];
	_ =	swait.ge [sflag:s4], $0x0  }
0x19: {  	s7 =	sld [smem:$0x3F9B]  }
0x1a: {  	s8 =	sadd.s32 $0xFFFFE003, lr  }
0x1b: {  	s9 =	sadd.s32 $0xFFFFFEF7, lr;
	s5 =	simm.s32 $0xFFFFFFFF;
	p2 =	slt.u32 s8, $0xFFFFF086  }
0x1c: {  	p1 =	slt.u32 s9, $0xF7A;
	s5 =	simm.s32 @!p2 $0x0  }
0x1d: {  	s5 =	simm.s32 @p1 $0x1;
	p0 =	seq.s32 s7, s2  }
0x1e: {  	s7 =	smul.u32 @!p0 $0xF7A, s2;
	p2 =	seq.s32 @!p0 s5, $0x0  }
0x1f: {  	s9 =	smul.u32 $0xF7A, s1;
	s8 =	simm.s32 @!p0 $0x1BF5;
	p2 =	por !p2, p0  }
0x20: {  	[sflag:s8] =	ssyncset.s32 @!p0 $0xFFFFF086;
	s6 =	sadd.s32 @!p0 s3, s7;
	s7 =	simm.s32 @!p0 $0x108  }
0x21: {  	s3 =	sadd.s32 s3, s9;
	s6 =	sadd.s32 @!p0 $0x88, s6;
	s7 =	simm.s32 @p2 $0x1082  }
0x22: {  	[simem:s7], [sflag:s8] =	dma.local @!p0 [hbm:s6], $0xF7A  }
0x23: {  	s9 =	sor.u32 $0xD0000000, s2;
	s6 =	simm.s32 $0x108;
	_ =	swait.ge @!p0 [sflag:s8], $0x0  }
0x24: {  	s3 =	sadd.s32 $0x88, s3;
	s6 =	simm.s32 @!p1 $0x1082;
	[sflag:s4] =	ssyncset.s32 $0xFFFFF086  }
0x25: {  	[simem:s6], [sflag:s4] =	dma.local [hbm:s3], $0xF7A  }
0x26: {  	[smem:$0x3F9B] =	sst s1;
	(tag) =	ssettag s2;
	_ =	strace s9  }
0x27: {  	s1 =	sld [smem:$0x3FAB]  }
0x28: {  	s2 =	sld [smem:$0x3FAC]  }
0x29: {  	s4 =	sld [smem:$0x3FAE]  }
0x2a: {  	p0 =	seq.s32 s5, $0x0;
	s5 =	sld [smem:$0x3FAF]  }
0x2b: {  	s6 =	sld [smem:$0x3FB0]  }
0x2c: {  	s7 =	sld [smem:$0x3FB1]  }
0x2d: {  	s3 =	simm.s32 $0x108;
	s8 =	sld [smem:$0x3FB2]  }
0x2e: {  	s3 =	simm.s32 @!p0 $0x1082;
	s9 =	sld [smem:$0x3FB3]  }
0x2f: {  	lr =	sadd.s32 s0, s3;
	s0 =	sld [smem:$0x3FAA]  }
0x30: {  	s3 =	sld [smem:$0x3FAD]  }
0x31: {  	[smem:$0x3FB6] =	sst s10  }
0x32: {  	s10 =	sld [smem:$0x3FB4];
	_ =	sdelay $0x3  }
0x33: {  	p0 =	seq.s32 s10, $0x1;
	s10 =	sld [smem:$0x3FB6];
	_ =	sdelay $0x3  }
0x34: {  	[smem:$0x3FB6] =	sst s10  }
0x35: {  	s10 =	sld [smem:$0x3FB5];
	_ =	sdelay $0x3  }
0x36: {  	p1 =	seq.s32 s10, $0x1;
	s10 =	sld [smem:$0x3FB6];
	_ =	sdelay $0x3  }
0x37: {  	[smem:$0x3FB6] =	sst s10  }
0x38: {  	s10 =	sld [smem:$0x3FB7]  }
0x39: {  	_ = 	snop;
	(pc) =	sbr.ind lr, $3  }
0x3a: {  	_ = 	snop  }
0x3b: {  	_ = 	snop  }
0x3c: {  	p2 =	seq.s32 s10, $0x1;
	s10 =	sld [smem:$0x3FB6]  }
0x3d: {  	_ =	shalt  }
0x3e: {  	_ =	shalt  }
0x3f: {  	_ =	shalt  }
0x40: {  	_ =	shalt  }
0x41: {  	_ =	shalt  }
0x42: {  	_ =	shalt  }
0x43: {  	_ =	shalt  }
0x44: {  	_ =	shalt  }
0x45: {  	_ =	shalt  }
0x46: {  	_ =	shalt  }
0x47: {  	_ =	shalt  }
0x48: {  	_ =	shalt  }
0x49: {  	_ =	shalt  }
0x4a: {  	_ =	shalt  }
0x4b: {  	_ =	shalt  }
0x4c: {  	_ =	shalt  }
0x4d: {  	_ =	shalt  }
0x4e: {  	_ =	shalt  }
0x4f: {  	_ =	shalt  }
0x50: {  	_ =	shalt  }
0x51: {  	_ =	shalt  }
0x52: {  	_ =	shalt  }
0x53: {  	_ =	shalt  }
0x54: {  	_ =	shalt  }
0x55: {  	_ =	shalt  }
0x56: {  	_ =	shalt  }
0x57: {  	_ =	shalt  }
0x58: {  	_ =	shalt  }
0x59: {  	_ =	shalt  }
0x5a: {  	_ =	shalt  }
0x5b: {  	_ =	shalt  }
0x5c: {  	_ =	shalt  }
0x5d: {  	_ =	shalt  }
0x5e: {  	_ =	shalt  }
0x5f: {  	_ =	shalt  }
0x60: {  	_ =	shalt  }
0x61: {  	_ =	shalt  }
0x62: {  	_ =	shalt  }
0x63: {  	_ =	shalt  }
0x64: {  	_ =	shalt  }
0x65: {  	_ =	shalt  }
0x66: {  	_ =	shalt  }
0x67: {  	_ =	shalt  }
0x68: {  	_ =	shalt  }
0x69: {  	_ =	shalt  }
0x6a: {  	_ =	shalt  }
0x6b: {  	_ =	shalt  }
0x6c: {  	_ =	shalt  }
0x6d: {  	_ =	shalt  }
0x6e: {  	_ =	shalt  }
0x6f: {  	_ =	shalt  }
0x70: {  	_ =	shalt  }
0x71: {  	_ =	shalt  }
0x72: {  	_ =	shalt  }
0x73: {  	_ =	shalt  }
0x74: {  	_ =	shalt  }
0x75: {  	_ =	shalt  }
0x76: {  	_ =	shalt  }
0x77: {  	_ =	shalt  }
0x78: {  	_ =	shalt  }
0x79: {  	_ =	shalt  }
0x7a: {  	_ =	shalt  }
0x7b: {  	_ =	shalt  }
0x7c: {  	_ =	shalt  }
0x7d: {  	_ =	shalt  }
0x7e: {  	_ =	shalt  }
0x7f: {  	_ =	shalt  }
0x80: {  	_ =	shalt  }
0x81: {  	_ =	shalt  }
0x82: {  	_ =	shalt  }
0x83: {  	_ =	shalt  }
0x84: {  	_ =	shalt  }
0x85: {  	_ =	shalt  }
0x86: {  	_ =	shalt  }
0x87: {  	_ =	shalt  }
.Lfunc_end0:
.L_simem_size_0:
called_computation_lowered:
.L_overlay_start_0:
0x88: {  	s2 =	sld [smem:$0x3FD9]  }
0x89: {  	s3 =	sld [smem:$0x3FFE];
	_ =	sdelay $0x1  }
0x8a: {  	s1 =	srdreg.scid  }
0x8b: {  	s0 =	sand.u32 $0x1, s1  }
0x8c: {  	s17 =	sshll.u32 s0, $0xA;
	s2 =	sadd.s32 s3, s2  }
0x8d: {  	s2 =	sadd.s32 s2, s17  }
0x8e: {  	[smem:$0x3FC2] =	sst s2  }
0x8f: {  	_ = 	snop  }
0x90: {  	s2 =	sld [smem:$0x3FD0];
	(tm) =	ssettm $0x1  }
0x91: {  	s18 =	sld [smem:$0x3FFB];
	_ =	sdelay $0x3  }
0x92: {  	_ =	strace s18  }
0x93: {  	s3 =	sld [smem:$0x3FFC];
	_ =	sdelay $0x3  }
0x94: {  	_ =	strace s3  }
0x95: {  	s3 =	sld [smem:$0x3FFD];
	_ =	sdelay $0x3  }
0x96: {  	_ =	strace s3  }
0x97: {  	_ =	strace $0x8FFFFFFF  }
0x98: {  	s19 =	sld [smem:$0x3FDB];
	_ =	sdelay $0x1  }
0x99: {  	s4 =	simm.s32 $_scs_section_size  }
0x9a: {  	s5 =	simm.s32 $_size__tile_overlayer_lowered;
	s6 =	simm.s32 $_tile_overlayer_lowered  }
0x9b: {  	s22 =	simm.s32 $0x1BFF;
	s21 =	sshll.u32 s6, $0x1;
	s3 =	sadd.s32 s4, s19  }
0x9c: {  	s7 =	simm.s32 $0x0;
	s20 =	sshll.u32 s5, $0x1;
	s5 =	sadd.s32 s21, s3  }
0x9d: {  	[timem:s7], [sflag:s22] =	dma.local [hbm:s5], s20  }
0x9e: {  	_ =	swait.ge [sflag:s22], s20  }
0x9f: {  	s4 =	ssub.s32 $0x0, s20;
	[sflag:s22] =	ssyncset.done $0x0  }
0xa0: {  	[sflag:s22] =	ssyncadd.s32 s4;
	_ =	sdelay $0x1  }
0xa1: {  	s23 =	simm.s32 $0x1B8B  }
0xa2: {  	_ =	swait.ge [sflag:s23], $0x1  }
0xa3: {  	[sflag:s23] =	ssyncset.done $0x0  }
0xa4: {  	s25 =	simm.s32 $0x1B8E;
	s24 =	sld [smem:$0x3FFE];
	[sflag:s23] =	ssyncadd.s32 $0xFFFFFFFF  }
0xa5: {  	s26 =	simm.s32 $execute0_lowered;
	[smem:$0x3FD2] =	sst s25  }
0xa6: {  	s5 =	sshll.u32 s26, $0x1;
	_ =	strace $0x80000046;
	[dreg:$0x1] =	wrdreg $0xFFFFFFFF  }
0xa7: {  	s28 =	simm.s32 $_size_execute0_lowered;
	s3 =	sadd.s32 s3, s5;
	[dreg:$0x0] =	wrdreg $0x0  }
0xa8: {  	s5 =	sshll.u32 s28, $0x1;
	[dreg:$0x2] =	wrdreg s3  }
0xa9: {  	[dreg:$0x3] =	wrdreg s5  }
0xaa: {  	[dreg:$0x4] =	wrdreg $0xC0  }
0xab: {  	_ =	task [dreg:s7], $0x5FFFF  }
0xac: {  	[dreg:$0x1] =	wrdreg $0xFFFFFFFF  }
0xad: {  	[dreg:$0x0] =	wrdreg $0x60  }
0xae: {  	[dreg:$0x2] =	wrdreg s24  }
0xaf: {  	[dreg:$0x3] =	wrdreg s2  }
0xb0: {  	[dreg:$0x4] =	wrdreg $0x28800  }
0xb1: {  	[dreg:$0x5] =	wrdreg $0x9  }
0xb2: {  	_ =	task.clear_ibuf [dreg:s7], $0x6FFFF;
	_ =	strace $0x90000046  }
0xb3: {  	s29 =	simm.s32 $0x9;
	_ =	strace $0x80000048  }
0xb4: {  	_ =	swait.ge [sflag:s29], $0x1  }
0xb5: {  	[sflag:s29] =	ssyncadd.s32 $0xFFFFFFFF  }
0xb6: {  	_ =	strace $0x90000048  }
0xb7: {  	_ =	sfence  }
0xb8: {  	s30 =	sld [smem:$0x0];
	_ =	sdelay $0x2  }
0xb9: {  	s31 =	sshll.u32 s1, $0xD;
	s1 =	sshrl.u32 s1, $0x2  }
0xba: {  	s3 =	sand.u32 $0x4000, s31;
	s1 =	sadd.s32 s1, s30  }
0xbb: {  	s0 =	sor.u32 s3, s0;
	s1 =	sshll.u32 s1, $0x11  }
0xbc: {  	s0 =	sor.u32 s1, s0  }
0xbd: {  	s0 =	sadd.s32 $0x8F2B, s0  }
0xbe: {  	[sflag:s0] =	ssyncadd.remote.s32 $0x1  }
0xbf: {  	_ =	sfence.sel $0xFFFF  }
0xc0: {  	[dreg:$0x0] =	wrdreg $0xFFFFFFFF;
	(pc) =	sbr.abs _section_cstart, $3  }
0xc1: {  	[dreg:$0x1] =	wrdreg $0xFFFFFFFF  }
0xc2: {  	_ =	task.clear_ibuf [dreg:s7], $0x2FFFF;
	_ =	strace $0x9FFFFFFF  }
0xc3: {  	(tm) =	ssettm $0x7FFFFFFF  }
tec
execute0_lowered:
.L_overlay_start_1:
0x0: {  	(tag) =	ssettag $0x1  }
0x1: {  	s6 =	rddreg [dreg:$0x0]  }
0x2: {  	s1 =	rddreg [dreg:$0x1]  }
0x3: {  	s2 =	rddreg [dreg:$0x2]  }
0x4: {  	s0 =	rddreg [dreg:$0x3]  }
0x5: {  	s3 =	simm.s32 $0x0;
	s7 =	srdreg.scid;
	s4 =	stileid.u32  }
0x6: {  	[smem:$0x7FF] =	sst s3;
	s8 =	sadd.s32 $0x6800, s6;
	s9 =	sadd.s32 $0x1800, s6  }
0x7: {  	s5 =	sadd.s32 $0xB800, s6;
	s7 =	sand.u32 $0x1, s7;
	s10 =	sadd.s32 $0xBA00, s6  }
0x8: {  	s12 =	smul.u32 $0x280, s4;
	s13 =	sadd.s32 $0xC000, s6;
	s15 =	sshll.u32 s4, $0x6  }
0x9: {  	s16 =	smul.u32 $0x500, s4;
	_ =	strace $0x80000047;
	s11 =	ssub.s32 $0x2, s7  }
0xa: {  	s6 =	sor.u32 $0x1C01, s15;
	p0 =	seq.s32 s7, $0x0;
	s15 =	sor.u32 $0x1C02, s15  }
0xb: {  	s31 =	sshrl.u32 s11, $0x1;
	s14 =	sadd.s32 s12, s2;
	s12 =	sshrl.u32 s12, $0x3  }
0xc: {  	s9 =	smov.u32 @p0 s8;
	s13 =	smov.u32 @p0 s10;
	s10 =	simm.s32 $0x2800  }
0xd: {  	s11 =	ssub.s32 s11, s31;
	s8 =	sadd.s32 s9, s16;
	s9 =	sadd.s32 s13, s12  }
0xe: {  	s12 =	simm.s32 $0x2;
	s13 =	simm.s32 $0x1;
	s16 =	simm.s32 $0x0  }
0xf: {  	s7 =	smax.u32 s11, $0x1;
	s11 =	sshrl.u32 s14, $0x3;
	s14 =	simm.s32 $0x80  }
.LBB2_1:
0x10: {  	[tilespmem:s10], [sflag:$0x1] =	stream.linear.gather [hbm4b:s1+s3], $0x80, $0x38;
	[tilespmem:$0x2B00] =	vst v63  }
0x11: {  	[spmem:s11], [sflag:s6] =	dma.local [hbm:s5], $0x50  }
0x12: {  	[tilespmem:s3], [sflag:$0x2] =	stream.linear.gather [hbm4b:s8+s3], $0x2800, $0x38;
	[tilespmem:$0x2B00] =	vst v63  }
0x13: {  	_ =	swait.ge [sflag:s12], $0x2800  }
0x14: {  	[sflag:s12] =	ssyncset.done $0x0  }
0x15: {  	[sflag:s12] =	ssyncadd.s32 $0xFFFFD800  }
0x16: {  	_ =	swait.ge [sflag:s13], $0x80  }
0x17: {  	[sflag:s13] =	ssyncset.done $0x0  }
0x18: {  	[sflag:s13] =	ssyncadd.s32 $0xFFFFFF80  }
0x19: {  	_ =	swait.ge [sflag:s13], $0x50  }
0x1a: {  	[sflag:s13] =	ssyncset.done $0x0  }
0x1b: {  	[sflag:s13] =	ssyncadd.s32 $0xFFFFFFB0  }
0x1c: {  	s17 =	simm.s32 $0x0;
	[bflag:$0x0] =	sbarrier.arrive $0xFFFF  }
.LBB2_2:
0x1d: {  	p0 =	sne.s32 s17, $0x9E00  }
.Ltmp0:
0x1e: {  	_ = 	snop;
	(pc) =	sbr.rel @p0 .LBB2_2-.Ltmp0, $3  }
0x1f: {  	_ =	sdelay $0x1  }
0x20: {  	s18 =	sshra.s32 s17, $0x2;
	s17 =	sadd.s32 $0x200, s17  }
0x21: {  	[spmem:s2] =	stream.indirect.scatter.add.f32 [tilespmem:s10], [sflag:$0x1], $0x1, s18, s14, $0xb8;
	[tilespmem:$0x2B00] =	vst v63  }
0x22: {  	_ =	swait.ge [sflag:s13], $0x80  }
0x23: {  	s17 =	simm.s32 $0x4F;
	[sflag:s13] =	ssyncset.done $0x0  }
.LBB2_4:
0x24: {  	p0 =	sne.s32 s17, $0x1;
	s17 =	sadd.s32 $0xFFFFFFFF, s17;
	[sflag:s13] =	ssyncadd.s32 $0xFFFFFF80  }
.Ltmp1:
0x25: {  	(pc) =	sbr.rel @p0 .LBB2_4-.Ltmp1, $3  }
0x26: {  	_ =	sdelay $0x1  }
0x27: {  	_ =	swait.ge [sflag:s13], $0x80  }
0x28: {  	[sflag:s13] =	ssyncset.done $0x0  }
0x29: {  	s16 =	sadd.s32 $0x1, s16  }
0x2a: {  	[sflag:s13] =	ssyncadd.s32 $0xFFFFFF80;
	p0 =	sne.s32 s16, s7  }
.Ltmp2:
0x2b: {  	[bflag:$0x0] =	sbarrier.arrive $0xFFFF;
	(pc) =	sbr.rel @p0 .LBB2_1-.Ltmp2, $4  }
0x2c: {  	[hbm:s9], [sflag:s15] =	dma.local [spmem:s11], $0x50  }
0x2d: {  	_ =	swait.ge [sflag:s12], $0x50  }
0x2e: {  	[sflag:s12] =	ssyncset.done $0x0  }
0x2f: {  	[sflag:s12] =	ssyncadd.s32 $0xFFFFFFB0  }
0x30: {  	_ =	sfence.sel $0x180000  }
0x31: {  	[bflag:$0x0] =	sbarrier.arrive $0xFFFF  }
0x32: {  	p0 =	sne.s32 s4, $0x0;
	_ =	strace $0x90000047  }
0x33: {  	s0 =	sadd.s32 @!p0 $0x100000, s0;
	[bflag:$0x2] =	sbarrier.arrive $0xFFFF  }
0x34: {  	[sflag:s0] =	ssyncadd.tile.s32 @!p0 $0x1;
	_ =	shalt  }
.Lfunc_end2:
_tile_overlayer_lowered:
.L_overlay_start_2:
0x35: {  	(tag) =	ssettag $0x2  }
0x36: {  	s0 =	rddreg [dreg:$0x0];
	s2 =	stileid.u32  }
0x37: {  	s1 =	rddreg [dreg:$0x1];
	p0 =	sne.s32 s2, $0x0  }
0x38: {  	s3 =	rddreg [dreg:$0x2];
	[bflag:$0x3] =	sbarrier.arrive $0xFFFF;
	s2 =	simm.s32 @!p0 $0x1C02  }
0x39: {  	[timem:s3], [sflag:s2] =	dma.local @!p0 [hbm:s0], s1  }
0x3a: {  	s0 =	simm.s32 @!p0 $0x2  }
0x3b: {  	_ =	swait.ge @!p0 [sflag:s0], s1  }
0x3c: {  	s1 =	ssub.s32 @!p0 $0x0, s1;
	[sflag:s0] =	ssyncset.done @!p0 $0x0  }
0x3d: {  	[sflag:s0] =	ssyncadd.s32 @!p0 s1  }
0x3e: {  	[bflag:$0x3] =	sbarrier.arrive $0xFFFF  }
0x3f: {  	_ =	shalt  }

// kernel: kernel.9.cloned.1.call-start
scs
__scs_entry_jumppad:
0x0: {  	(pc) =	sbr.rel $0x88, $3  }
0x1: {  	(tag) =	ssettag $0x0;
	lr =	simm.s32 $0x1  }
0x2: {  	[smem:$0x3F9B] =	sst lr;
	_ =	strace $0xD0000000  }
0x3: {  	_ = 	snop  }
0x4: {  	_ = 	snop  }
0x5: {  	_ = 	snop  }
0x6: {  	_ = 	snop  }
0x7: {  	_ = 	snop  }
__scs_overlays_trampoline_lowered:
0x8: {  	[smem:$0x3FAA] =	sst s0  }
0x9: {  	[smem:$0x3FAB] =	sst s1  }
0xa: {  	[smem:$0x3FAC] =	sst s2  }
0xb: {  	[smem:$0x3FAD] =	sst s3  }
0xc: {  	[smem:$0x3FAE] =	sst s4  }
0xd: {  	[smem:$0x3FAF] =	sst s5  }
0xe: {  	[smem:$0x3FB0] =	sst s6  }
0xf: {  	[smem:$0x3FB1] =	sst s7  }
0x10: {  	[smem:$0x3FB2] =	sst s8  }
0x11: {  	[smem:$0x3FB3] =	sst s9;
	s0 =	simm.s32 @!p0 $0x0  }
0x12: {  	s1 =	sld [smem:$0x3F99];
	s0 =	simm.s32 @p0 $0x1  }
0x13: {  	[smem:$0x3FB4] =	sst s0;
	s0 =	simm.s32 @!p1 $0x0  }
0x14: {  	s2 =	sld [smem:$0x3F98];
	s0 =	simm.s32 @p1 $0x1  }
0x15: {  	[smem:$0x3FB5] =	sst s0;
	s0 =	simm.s32 @!p2 $0x0  }
0x16: {  	s3 =	sld [smem:$0x3FDB];
	s0 =	simm.s32 @p2 $0x1  }
0x17: {  	s4 =	simm.s32 $0x1BF5;
	[smem:$0x3FB7] =	sst s0  }
0x18: {  	s0 =	sld [smem:$0x3F9A];
	_ =	swait.ge [sflag:s4], $0x0  }
0x19: {  	s7 =	sld [smem:$0x3F9B]  }
0x1a: {  	s8 =	sadd.s32 $0xFFFFE003, lr  }
0x1b: {  	s9 =	sadd.s32 $0xFFFFFEF7, lr;
	s5 =	simm.s32 $0xFFFFFFFF;
	p2 =	slt.u32 s8, $0xFFFFF086  }
0x1c: {  	p1 =	slt.u32 s9, $0xF7A;
	s5 =	simm.s32 @!p2 $0x0  }
0x1d: {  	s5 =	simm.s32 @p1 $0x1;
	p0 =	seq.s32 s7, s2  }
0x1e: {  	s7 =	smul.u32 @!p0 $0xF7A, s2;
	p2 =	seq.s32 @!p0 s5, $0x0  }
0x1f: {  	s9 =	smul.u32 $0xF7A, s1;
	s8 =	simm.s32 @!p0 $0x1BF5;
	p2 =	por !p2, p0  }
0x20: {  	[sflag:s8] =	ssyncset.s32 @!p0 $0xFFFFF086;
	s6 =	sadd.s32 @!p0 s3, s7;
	s7 =	simm.s32 @!p0 $0x108  }
0x21: {  	s3 =	sadd.s32 s3, s9;
	s6 =	sadd.s32 @!p0 $0x88, s6;
	s7 =	simm.s32 @p2 $0x1082  }
0x22: {  	[simem:s7], [sflag:s8] =	dma.local @!p0 [hbm:s6], $0xF7A  }
0x23: {  	s9 =	sor.u32 $0xD0000000, s2;
	s6 =	simm.s32 $0x108;
	_ =	swait.ge @!p0 [sflag:s8], $0x0  }
0x24: {  	s3 =	sadd.s32 $0x88, s3;
	s6 =	simm.s32 @!p1 $0x1082;
	[sflag:s4] =	ssyncset.s32 $0xFFFFF086  }
0x25: {  	[simem:s6], [sflag:s4] =	dma.local [hbm:s3], $0xF7A  }
0x26: {  	[smem:$0x3F9B] =	sst s1;
	(tag) =	ssettag s2;
	_ =	strace s9  }
0x27: {  	s1 =	sld [smem:$0x3FAB]  }
0x28: {  	s2 =	sld [smem:$0x3FAC]  }
0x29: {  	s4 =	sld [smem:$0x3FAE]  }
0x2a: {  	p0 =	seq.s32 s5, $0x0;
	s5 =	sld [smem:$0x3FAF]  }
0x2b: {  	s6 =	sld [smem:$0x3FB0]  }
0x2c: {  	s7 =	sld [smem:$0x3FB1]  }
0x2d: {  	s3 =	simm.s32 $0x108;
	s8 =	sld [smem:$0x3FB2]  }
0x2e: {  	s3 =	simm.s32 @!p0 $0x1082;
	s9 =	sld [smem:$0x3FB3]  }
0x2f: {  	lr =	sadd.s32 s0, s3;
	s0 =	sld [smem:$0x3FAA]  }
0x30: {  	s3 =	sld [smem:$0x3FAD]  }
0x31: {  	[smem:$0x3FB6] =	sst s10  }
0x32: {  	s10 =	sld [smem:$0x3FB4];
	_ =	sdelay $0x3  }
0x33: {  	p0 =	seq.s32 s10, $0x1;
	s10 =	sld [smem:$0x3FB6];
	_ =	sdelay $0x3  }
0x34: {  	[smem:$0x3FB6] =	sst s10  }
0x35: {  	s10 =	sld [smem:$0x3FB5];
	_ =	sdelay $0x3  }
0x36: {  	p1 =	seq.s32 s10, $0x1;
	s10 =	sld [smem:$0x3FB6];
	_ =	sdelay $0x3  }
0x37: {  	[smem:$0x3FB6] =	sst s10  }
0x38: {  	s10 =	sld [smem:$0x3FB7]  }
0x39: {  	_ = 	snop;
	(pc) =	sbr.ind lr, $3  }
0x3a: {  	_ = 	snop  }
0x3b: {  	_ = 	snop  }
0x3c: {  	p2 =	seq.s32 s10, $0x1;
	s10 =	sld [smem:$0x3FB6]  }
0x3d: {  	_ =	shalt  }
0x3e: {  	_ =	shalt  }
0x3f: {  	_ =	shalt  }
0x40: {  	_ =	shalt  }
0x41: {  	_ =	shalt  }
0x42: {  	_ =	shalt  }
0x43: {  	_ =	shalt  }
0x44: {  	_ =	shalt  }
0x45: {  	_ =	shalt  }
0x46: {  	_ =	shalt  }
0x47: {  	_ =	shalt  }
0x48: {  	_ =	shalt  }
0x49: {  	_ =	shalt  }
0x4a: {  	_ =	shalt  }
0x4b: {  	_ =	shalt  }
0x4c: {  	_ =	shalt  }
0x4d: {  	_ =	shalt  }
0x4e: {  	_ =	shalt  }
0x4f: {  	_ =	shalt  }
0x50: {  	_ =	shalt  }
0x51: {  	_ =	shalt  }
0x52: {  	_ =	shalt  }
0x53: {  	_ =	shalt  }
0x54: {  	_ =	shalt  }
0x55: {  	_ =	shalt  }
0x56: {  	_ =	shalt  }
0x57: {  	_ =	shalt  }
0x58: {  	_ =	shalt  }
0x59: {  	_ =	shalt  }
0x5a: {  	_ =	shalt  }
0x5b: {  	_ =	shalt  }
0x5c: {  	_ =	shalt  }
0x5d: {  	_ =	shalt  }
0x5e: {  	_ =	shalt  }
0x5f: {  	_ =	shalt  }
0x60: {  	_ =	shalt  }
0x61: {  	_ =	shalt  }
0x62: {  	_ =	shalt  }
0x63: {  	_ =	shalt  }
0x64: {  	_ =	shalt  }
0x65: {  	_ =	shalt  }
0x66: {  	_ =	shalt  }
0x67: {  	_ =	shalt  }
0x68: {  	_ =	shalt  }
0x69: {  	_ =	shalt  }
0x6a: {  	_ =	shalt  }
0x6b: {  	_ =	shalt  }
0x6c: {  	_ =	shalt  }
0x6d: {  	_ =	shalt  }
0x6e: {  	_ =	shalt  }
0x6f: {  	_ =	shalt  }
0x70: {  	_ =	shalt  }
0x71: {  	_ =	shalt  }
0x72: {  	_ =	shalt  }
0x73: {  	_ =	shalt  }
0x74: {  	_ =	shalt  }
0x75: {  	_ =	shalt  }
0x76: {  	_ =	shalt  }
0x77: {  	_ =	shalt  }
0x78: {  	_ =	shalt  }
0x79: {  	_ =	shalt  }
0x7a: {  	_ =	shalt  }
0x7b: {  	_ =	shalt  }
0x7c: {  	_ =	shalt  }
0x7d: {  	_ =	shalt  }
0x7e: {  	_ =	shalt  }
0x7f: {  	_ =	shalt  }
0x80: {  	_ =	shalt  }
0x81: {  	_ =	shalt  }
0x82: {  	_ =	shalt  }
0x83: {  	_ =	shalt  }
0x84: {  	_ =	shalt  }
0x85: {  	_ =	shalt  }
0x86: {  	_ =	shalt  }
0x87: {  	_ =	shalt  }
.Lfunc_end0:
.L_simem_size_0:
called_computation.1_lowered:
.L_overlay_start_0:
0x88: {  	s2 =	sld [smem:$0x3FD9]  }
0x89: {  	s3 =	sld [smem:$0x3FFE];
	_ =	sdelay $0x1  }
0x8a: {  	s1 =	srdreg.scid  }
0x8b: {  	s0 =	sand.u32 $0x1, s1  }
0x8c: {  	s16 =	sshll.u32 s0, $0xA;
	s2 =	sadd.s32 s3, s2  }
0x8d: {  	s2 =	sadd.s32 s2, s16  }
0x8e: {  	[smem:$0x3FC2] =	sst s2  }
0x8f: {  	_ = 	snop  }
0x90: {  	(tm) =	ssettm $0x1  }
0x91: {  	s17 =	sld [smem:$0x3FFB];
	_ =	sdelay $0x3  }
0x92: {  	_ =	strace s17  }
0x93: {  	s2 =	sld [smem:$0x3FFC];
	_ =	sdelay $0x3  }
0x94: {  	_ =	strace s2  }
0x95: {  	s2 =	sld [smem:$0x3FFD];
	_ =	sdelay $0x3  }
0x96: {  	_ =	strace s2  }
0x97: {  	_ =	strace $0x8FFFFFFF  }
0x98: {  	s18 =	sld [smem:$0x3FDB];
	_ =	sdelay $0x1  }
0x99: {  	s19 =	simm.s32 $_scs_section_size  }
0x9a: {  	s4 =	simm.s32 $_size__tile_overlayer_lowered;
	s5 =	simm.s32 $_tile_overlayer_lowered  }
0x9b: {  	s22 =	simm.s32 $0x1BFF;
	s21 =	sshll.u32 s5, $0x1;
	s2 =	sadd.s32 s19, s18  }
0x9c: {  	s6 =	simm.s32 $0x0;
	s20 =	sshll.u32 s4, $0x1;
	s4 =	sadd.s32 s21, s2  }
0x9d: {  	[timem:s6], [sflag:s22] =	dma.local [hbm:s4], s20  }
0x9e: {  	_ =	swait.ge [sflag:s22], s20  }
0x9f: {  	s3 =	ssub.s32 $0x0, s20;
	[sflag:s22] =	ssyncset.done $0x0  }
0xa0: {  	[sflag:s22] =	ssyncadd.s32 s3;
	_ =	sdelay $0x1  }
0xa1: {  	s23 =	simm.s32 $0x1B8B  }
0xa2: {  	_ =	swait.ge [sflag:s23], $0x1  }
0xa3: {  	[sflag:s23] =	ssyncset.done $0x0  }
0xa4: {  	s25 =	simm.s32 $0x1B8E;
	s24 =	sld [smem:$0x3FFE];
	[sflag:s23] =	ssyncadd.s32 $0xFFFFFFFF  }
0xa5: {  	s26 =	simm.s32 $execute0_lowered;
	[smem:$0x3FD2] =	sst s25  }
0xa6: {  	s4 =	sshll.u32 s26, $0x1;
	_ =	strace $0x80000049;
	[dreg:$0x1] =	wrdreg $0xFFFFFFFF  }
0xa7: {  	s28 =	simm.s32 $_size_execute0_lowered;
	s2 =	sadd.s32 s2, s4;
	[dreg:$0x0] =	wrdreg $0x0  }
0xa8: {  	s4 =	sshll.u32 s28, $0x1;
	[dreg:$0x2] =	wrdreg s2  }
0xa9: {  	[dreg:$0x3] =	wrdreg s4  }
0xaa: {  	[dreg:$0x4] =	wrdreg $0xC0  }
0xab: {  	_ =	task [dreg:s6], $0x5FFFF  }
0xac: {  	[dreg:$0x1] =	wrdreg $0xFFFFFFFF  }
0xad: {  	[dreg:$0x0] =	wrdreg $0x60  }
0xae: {  	[dreg:$0x2] =	wrdreg s24  }
0xaf: {  	[dreg:$0x3] =	wrdreg $0xBC000  }
0xb0: {  	[dreg:$0x4] =	wrdreg $0x1F8000  }
0xb1: {  	[dreg:$0x5] =	wrdreg $0x9  }
0xb2: {  	_ =	task.clear_ibuf [dreg:s6], $0x6FFFF;
	_ =	strace $0x90000049  }
0xb3: {  	s29 =	simm.s32 $0x9;
	_ =	strace $0x8000004B  }
0xb4: {  	_ =	swait.ge [sflag:s29], $0x1  }
0xb5: {  	[sflag:s29] =	ssyncadd.s32 $0xFFFFFFFF  }
0xb6: {  	_ =	strace $0x9000004B  }
0xb7: {  	_ =	sfence  }
0xb8: {  	s30 =	sld [smem:$0x0];
	_ =	sdelay $0x2  }
0xb9: {  	s31 =	sshll.u32 s1, $0xD;
	s1 =	sshrl.u32 s1, $0x2  }
0xba: {  	s3 =	sand.u32 $0x4000, s31;
	s1 =	sadd.s32 s1, s30  }
0xbb: {  	s0 =	sor.u32 s3, s0;
	s1 =	sshll.u32 s1, $0x11  }
0xbc: {  	s0 =	sor.u32 s1, s0  }
0xbd: {  	s0 =	sadd.s32 $0x8F2B, s0  }
0xbe: {  	[sflag:s0] =	ssyncadd.remote.s32 $0x1  }
0xbf: {  	_ =	sfence.sel $0xFFFF  }
0xc0: {  	[dreg:$0x0] =	wrdreg $0xFFFFFFFF;
	(pc) =	sbr.abs _section_cstart, $3  }
0xc1: {  	[dreg:$0x1] =	wrdreg $0xFFFFFFFF  }
0xc2: {  	_ =	task.clear_ibuf [dreg:s6], $0x2FFFF;
	_ =	strace $0x9FFFFFFF  }
0xc3: {  	(tm) =	ssettm $0x7FFFFFFF  }
tec
execute0_lowered:
.L_overlay_start_1:
0x0: {  	(tag) =	ssettag $0x1  }
0x1: {  	s0 =	rddreg [dreg:$0x0]  }
0x2: {  	s1 =	rddreg [dreg:$0x1]  }
0x3: {  	s2 =	rddreg [dreg:$0x2];
	s3 =	simm.s32 $0x0  }
0x4: {  	s18 =	srdreg.scid;
	s21 =	stileid.u32;
	s28 =	simm.s32 $0x80  }
0x5: {  	s29 =	simm.s32 $0x2800;
	s30 =	simm.s32 $0x6800;
	s31 =	simm.s32 $0x1480  }
0x6: {  	[smem:$0x7FF] =	sst s3;
	s7 =	sadd.s32 $0x6800, s0;
	s8 =	sadd.s32 $0x1800, s0  }
0x7: {  	s4 =	sadd.s32 $0xBA00, s0;
	s5 =	sadd.s32 $0x32C00, s0;
	s6 =	sadd.s32 $0x59E00, s0  }
0x8: {  	s9 =	sadd.s32 $0x5A400, s0;
	s17 =	sadd.s32 $0xB800, s0;
	s10 =	sadd.s32 $0x5CC00, s0  }
0x9: {  	s11 =	smul.u32 $0x280, s21;
	_ =	strace $0x8000004A;
	[dreg:$0x4] =	wrdreg s9  }
0xa: {  	s19 =	sadd.s32 $0x84400, s0;
	s13 =	smul.u32 $0x4F000, s21;
	[dreg:$0x5] =	wrdreg s17  }
0xb: {  	s12 =	sadd.s32 $0xABC00, s0;
	s24 =	smul.u32 $0x2800, s21;
	[dreg:$0x6] =	wrdreg s10  }
0xc: {  	s0 =	sadd.s32 $0xAC200, s0;
	s14 =	smul.u32 $0x500, s21;
	[dreg:$0x7] =	wrdreg s19  }
0xd: {  	s26 =	sshll.u32 s21, $0x6;
	s21 =	smul.u32 $0x2780, s21;
	[dreg:$0x8] =	wrdreg s12  }
0xe: {  	s9 =	sand.u32 $0x1, s18;
	[dreg:$0x9] =	wrdreg s0;
	s15 =	sor.u32 $0x1C05, s26  }
0xf: {  	s26 =	simm.s32 $0x1;
	s0 =	simm.s32 $0x2;
	s20 =	ssub.s32 $0x2, s9  }
0x10: {  	s25 =	sshrl.u32 s13, $0x2;
	s10 =	sshrl.u32 s24, $0x3;
	s16 =	sadd.s32 s11, s2  }
0x11: {  	s17 =	sadd.s32 s7, s14;
	s18 =	sadd.s32 s8, s14;
	p0 =	sne.s32 s9, $0x0  }
.Ltmp0:
0x12: {  	s24 =	simm.s32 $0x5;
	s22 =	sshrl.u32 s20, $0x1;
	(pc) =	sbr.rel .LBB2_1-.Ltmp0, $4  }
0x13: {  	s12 =	sadd.s32 s25, s1;
	s10 =	sadd.s32 $0x280, s10;
	s25 =	simm.s32 $0x1400  }
0x14: {  	s23 =	ssub.s32 s20, s22;
	[dreg:$0xa] =	wrdreg s12;
	s19 =	sadd.s32 s7, s10  }
0x15: {  	s20 =	sadd.s32 s8, s10;
	s22 =	sshrl.u32 s11, $0x3;
	s7 =	simm.s32 $0x3  }
0x16: {  	s10 =	simm.s32 $0x4;
	s11 =	simm.s32 $0x0;
	s23 =	smax.u32 s23, $0x1  }
.LBB2_27:
0x17: {  	s9 =	rddreg [dreg:$0x7]  }
0x18: {  	[sflag:s10] =	ssyncadd.s32 $0xFFFFFF80;
	s8 =	rddreg [dreg:$0x9]  }
.LBB2_28:
0x19: {  	_ =	swait.ge [sflag:s0], $0x4000  }
0x1a: {  	[sflag:s0] =	ssyncset.done $0x0  }
0x1b: {  	[sflag:s0] =	ssyncadd.s32 $0xFFFFC000  }
0x1c: {  	_ =	swait.ge [sflag:s7], $0x4000  }
0x1d: {  	[sflag:s7] =	ssyncset.done $0x0  }
0x1e: {  	[sflag:s7] =	ssyncadd.s32 $0xFFFFC000  }
0x1f: {  	s9 =	sadd.s32 s9, s21;
	[bflag:$0x0] =	sbarrier.arrive $0xFFFF  }
0x20: {  	[hbm:s9], [sflag:s15] =	dma.local [spmem:s12], $0x2780  }
0x21: {  	s11 =	sadd.s32 $0x1, s11;
	_ =	swait.ge [sflag:s24], $0x2780  }
0x22: {  	p1 =	sne.s32 s11, s23;
	[sflag:s24] =	ssyncset.done $0x0  }
.Ltmp1:
0x23: {  	s8 =	sadd.s32 s8, s22;
	[sflag:s24] =	ssyncadd.s32 $0xFFFFD880;
	(pc) =	sbr.rel @!p1 .LBB2_29-.Ltmp1, $4  }
0x24: {  	[hbm:s8], [sflag:s15] =	dma.local [spmem:s13], $0x50  }
0x25: {  	_ =	swait.ge [sflag:s24], $0x50  }
0x26: {  	[sflag:s24] =	ssyncset.done $0x0  }
0x27: {  	[sflag:s24] =	ssyncadd.s32 $0xFFFFFFB0  }
.LBB2_1:
0x28: {  	s8 =	rddreg [dreg:$0xa]  }
0x29: {  	s13 =	rddreg [dreg:$0x4];
	s12 =	sshrl.u32 s8, $0x3  }
0x2a: {  	[spmem:s12], [sflag:s15] =	dma.local [hbm:s13], $0x2780  }
0x2b: {  	_ =	swait.ge [sflag:s24], $0x2780  }
0x2c: {  	[sflag:s24] =	ssyncset.done $0x0  }
0x2d: {  	s13 =	sshrl.u32 s16, $0x3;
	s14 =	rddreg [dreg:$0x5];
	[sflag:s24] =	ssyncadd.s32 $0xFFFFD880  }
0x2e: {  	[spmem:s13], [sflag:s15] =	dma.local [hbm:s14], $0x50  }
0x2f: {  	_ =	swait.ge [sflag:s24], $0x50  }
0x30: {  	[sflag:s24] =	ssyncset.done $0x0  }
0x31: {  	[sflag:s24] =	ssyncadd.s32 $0xFFFFFFB0  }
0x32: {  	[bflag:$0x0] =	sbarrier.arrive $0xFFFF  }
0x33: {  	[tilespmem:s3], [sflag:$0x1] =	stream.linear.gather [hbm4b:s17+s3], $0x1400, $0x38;
	[tilespmem:$0x1FA80] =	vst v63  }
0x34: {  	_ = 	snop  }
0x35: {  	[tilespmem:s25], [sflag:$0x1] =	stream.linear.gather [hbm4b:s18+s3], $0x1400, $0x38;
	[tilespmem:$0x1FA80] =	vst v63  }
0x36: {  	_ =	swait.ge [sflag:s26], $0x1400  }
.Ltmp2:
0x37: {  	[sflag:s26] =	ssyncset.done $0x0;
	(pc) =	sbr.rel @p0 .LBB2_15-.Ltmp2, $4  }
0x38: {  	[sflag:s26] =	ssyncadd.s32 $0xFFFFEC00  }
0x39: {  	_ =	swait.ge [sflag:s26], $0x1400  }
0x3a: {  	[sflag:s26] =	ssyncset.done $0x0  }
0x3b: {  	[sflag:s26] =	ssyncadd.s32 $0xFFFFEC00  }
0x3c: {  	s8 =	simm.s32 $0x200;
	s9 =	simm.s32 $0xA800;
	s14 =	simm.s32 $0x1400  }
.LBB2_3:
0x3d: {  	[tilespmem:s9], [sflag:$0x4] =	stream.indirect.gather [hbm4b:s6+s28], $0x1, s14, s28, $0xb8;
	[tilespmem:$0x1FA80] =	vst v63  }
0x3e: {  	s9 =	smov.u32 s8;
	p1 =	sne.s32 s8, $0x4E00  }
.Ltmp3:
0x3f: {  	s8 =	sadd.s32 $0x200, s8;
	(pc) =	sbr.rel @p1 .LBB2_3-.Ltmp3, $3  }
0x40: {  	_ =	sdelay $0x1  }
0x41: {  	s14 =	sshra.s32 s9, $0x2  }
0x42: {  	s9 =	sadd.s32 $0xA800, s14;
	s14 =	sadd.s32 $0x1400, s14  }
0x43: {  	[tilespmem:s9], [sflag:$0x4] =	stream.indirect.gather [hbm4b:s6+s28], $0x1, s14, s28, $0xb8;
	[tilespmem:$0x1FA80] =	vst v63  }
0x44: {  	_ = 	snop  }
0x45: {  	[tilespmem:s29], [sflag:$0x1] =	stream.indirect.gather [hbm4b:s4+s28], $0x80, s3, s28, $0xb8;
	[tilespmem:$0x1FA80] =	vst v63  }
0x46: {  	_ =	swait.ge [sflag:s26], $0x4000  }
0x47: {  	[sflag:s26] =	ssyncset.done $0x0  }
0x48: {  	[sflag:s26] =	ssyncadd.s32 $0xFFFFC000  }
0x49: {  	[spmem:s1] =	stream.indirect.scatter.add.f32 [tilespmem:s29], [sflag:$0x2], $0x80, s25, s28, $0xb8;
	[tilespmem:$0x1FA80] =	vst v63  }
0x4a: {  	_ = 	snop  }
0x4b: {  	[tilespmem:s30], [sflag:$0x1] =	stream.indirect.gather [hbm4b:s4+s28], $0x80, s28, s28, $0xb8;
	[tilespmem:$0x1FA80] =	vst v63  }
0x4c: {  	_ =	swait.ge [sflag:s26], $0x4000  }
0x4d: {  	[sflag:s26] =	ssyncset.done $0x0  }
0x4e: {  	[sflag:s26] =	ssyncadd.s32 $0xFFFFC000  }
0x4f: {  	[spmem:s1] =	stream.indirect.scatter.add.f32 [tilespmem:s30], [sflag:$0x3], $0x80, s31, s28, $0xb8;
	[tilespmem:$0x1FA80] =	vst v63  }
0x50: {  	_ =	swait.ge [sflag:s0], $0x4000  }
0x51: {  	[sflag:s0] =	ssyncset.done $0x0  }
0x52: {  	s8 =	simm.s32 $0x100;
	[sflag:s0] =	ssyncadd.s32 $0xFFFFC000  }
0x53: {  	[tilespmem:s29], [sflag:$0x1] =	stream.indirect.gather [hbm4b:s4+s28], $0x80, s8, s28, $0xb8;
	[tilespmem:$0x1FA80] =	vst v63  }
0x54: {  	_ =	swait.ge [sflag:s26], $0x4000  }
0x55: {  	[sflag:s26] =	ssyncset.done $0x0  }
0x56: {  	s9 =	simm.s32 $0x1500;
	[sflag:s26] =	ssyncadd.s32 $0xFFFFC000  }
0x57: {  	[spmem:s1] =	stream.indirect.scatter.add.f32 [tilespmem:s29], [sflag:$0x2], $0x80, s9, s28, $0xb8;
	[tilespmem:$0x1FA80] =	vst v63  }
0x58: {  	_ =	swait.ge [sflag:s7], $0x4000  }
0x59: {  	[sflag:s7] =	ssyncset.done $0x0  }
0x5a: {  	s14 =	simm.s32 $0x180;
	[sflag:s7] =	ssyncadd.s32 $0xFFFFC000  }
0x5b: {  	[tilespmem:s30], [sflag:$0x1] =	stream.indirect.gather [hbm4b:s4+s28], $0x80, s14, s28, $0xb8;
	[tilespmem:$0x1FA80] =	vst v63  }
0x5c: {  	_ =	swait.ge [sflag:s26], $0x4000  }
0x5d: {  	[sflag:s26] =	ssyncset.done $0x0  }
0x5e: {  	s8 =	simm.s32 $0xFFFFB800;
	s9 =	simm.s32 $0x1580;
	[sflag:s26] =	ssyncadd.s32 $0xFFFFC000  }
.LBB2_5:
0x5f: {  	[spmem:s1] =	stream.indirect.scatter.add.f32 [tilespmem:s30], [sflag:$0x3], $0x80, s9, s28, $0xb8;
	[tilespmem:$0x1FA80] =	vst v63  }
0x60: {  	s9 =	smov.u32 s8  }
0x61: {  	p1 =	sne.s32 s8, $0xFFFFFC00;
	s8 =	sadd.s32 $0x400, s8;
	_ =	swait.ge [sflag:s0], $0x4000  }
0x62: {  	s9 =	sshra.s32 s9, $0x2;
	[sflag:s0] =	ssyncset.done $0x0  }
0x63: {  	s14 =	sadd.s32 $0x1400, s9;
	[sflag:s0] =	ssyncadd.s32 $0xFFFFC000  }
0x64: {  	[tilespmem:s29], [sflag:$0x1] =	stream.indirect.gather [hbm4b:s4+s28], $0x80, s14, s28, $0xb8;
	[tilespmem:$0x1FA80] =	vst v63  }
0x65: {  	_ =	swait.ge [sflag:s26], $0x4000  }
0x66: {  	[sflag:s26] =	ssyncset.done $0x0  }
0x67: {  	s14 =	sadd.s32 $0x2800, s9;
	[sflag:s26] =	ssyncadd.s32 $0xFFFFC000  }
0x68: {  	[spmem:s1] =	stream.indirect.scatter.add.f32 [tilespmem:s29], [sflag:$0x2], $0x80, s14, s28, $0xb8;
	[tilespmem:$0x1FA80] =	vst v63  }
0x69: {  	_ =	swait.ge [sflag:s7], $0x4000  }
0x6a: {  	[sflag:s7] =	ssyncset.done $0x0  }
.Ltmp4:
0x6b: {  	s14 =	sadd.s32 $0x1480, s9;
	[sflag:s7] =	ssyncadd.s32 $0xFFFFC000;
	(pc) =	sbr.rel @p1 .LBB2_5-.Ltmp4, $4  }
0x6c: {  	[tilespmem:s30], [sflag:$0x1] =	stream.indirect.gather [hbm4b:s4+s28], $0x80, s14, s28, $0xb8;
	[tilespmem:$0x1FA80] =	vst v63  }
0x6d: {  	_ =	swait.ge [sflag:s26], $0x4000  }
0x6e: {  	[sflag:s26] =	ssyncset.done $0x0  }
0x6f: {  	s9 =	sadd.s32 $0x2880, s9;
	[sflag:s26] =	ssyncadd.s32 $0xFFFFC000  }
0x70: {  	[spmem:s1] =	stream.indirect.scatter.add.f32 [tilespmem:s30], [sflag:$0x3], $0x80, s9, s28, $0xb8;
	[tilespmem:$0x1FA80] =	vst v63  }
0x71: {  	s8 =	simm.s32 $0x28  }
.LBB2_7:
0x72: {  	p1 =	sne.s32 s8, $0x1  }
.Ltmp5:
0x73: {  	_ = 	snop;
	(pc) =	sbr.rel @p1 .LBB2_7-.Ltmp5, $4  }
0x74: {  	_ = 	snop  }
0x75: {  	_ =	swait.ge [sflag:s10], $0x80  }
0x76: {  	[sflag:s10] =	ssyncset.done $0x0  }
0x77: {  	s8 =	sadd.s32 $0xFFFFFFFF, s8;
	[sflag:s10] =	ssyncadd.s32 $0xFFFFFF80  }
0x78: {  	s8 =	simm.s32 $0x0  }
.LBB2_9:
0x79: {  	p1 =	sne.s32 s8, $0x4E00  }
.Ltmp6:
0x7a: {  	_ = 	snop;
	(pc) =	sbr.rel @p1 .LBB2_9-.Ltmp6, $4  }
0x7b: {  	_ = 	snop  }
0x7c: {  	s9 =	sshra.s32 s8, $0x2  }
0x7d: {  	s8 =	sadd.s32 $0x200, s8;
	s14 =	sadd.s32 $0xA800, s9  }
0x7e: {  	[spmem:s2] =	stream.indirect.scatter.add.f32 [tilespmem:s14], [sflag:$0x4], $0x1, s9, s28, $0xb8;
	[tilespmem:$0x1FA80] =	vst v63  }
0x7f: {  	_ =	swait.ge [sflag:s10], $0x80  }
0x80: {  	s8 =	simm.s32 $0x27;
	[sflag:s10] =	ssyncset.done $0x0  }
.LBB2_11:
0x81: {  	p1 =	sne.s32 s8, $0x1;
	s8 =	sadd.s32 $0xFFFFFFFF, s8;
	[sflag:s10] =	ssyncadd.s32 $0xFFFFFF80  }
.Ltmp7:
0x82: {  	(pc) =	sbr.rel @p1 .LBB2_11-.Ltmp7, $3  }
0x83: {  	_ =	sdelay $0x1  }
0x84: {  	_ =	swait.ge [sflag:s10], $0x80  }
0x85: {  	[sflag:s10] =	ssyncset.done $0x0  }
0x86: {  	[sflag:s10] =	ssyncadd.s32 $0xFFFFFF80  }
0x87: {  	_ =	swait.ge [sflag:s0], $0x4000  }
0x88: {  	[sflag:s0] =	ssyncset.done $0x0  }
0x89: {  	[sflag:s0] =	ssyncadd.s32 $0xFFFFC000  }
0x8a: {  	_ =	swait.ge [sflag:s7], $0x4000  }
0x8b: {  	[sflag:s7] =	ssyncset.done $0x0  }
0x8c: {  	[sflag:s7] =	ssyncadd.s32 $0xFFFFC000  }
0x8d: {  	[tilespmem:s3], [sflag:$0x1] =	stream.linear.gather [hbm4b:s19+s3], $0x1400, $0x38;
	[tilespmem:$0x1FA80] =	vst v63  }
0x8e: {  	_ = 	snop  }
0x8f: {  	[tilespmem:s25], [sflag:$0x1] =	stream.linear.gather [hbm4b:s20+s3], $0x1400, $0x38;
	[tilespmem:$0x1FA80] =	vst v63  }
0x90: {  	_ =	swait.ge [sflag:s26], $0x1400  }
0x91: {  	[sflag:s26] =	ssyncset.done $0x0  }
0x92: {  	[sflag:s26] =	ssyncadd.s32 $0xFFFFEC00  }
0x93: {  	_ =	swait.ge [sflag:s26], $0x1400  }
0x94: {  	[sflag:s26] =	ssyncset.done $0x0  }
0x95: {  	[sflag:s26] =	ssyncadd.s32 $0xFFFFEC00  }
0x96: {  	[tilespmem:s29], [sflag:$0x1] =	stream.indirect.gather [hbm4b:s4+s28], $0x80, s3, s28, $0xb8;
	[tilespmem:$0x1FA80] =	vst v63  }
0x97: {  	_ =	swait.ge [sflag:s26], $0x4000  }
0x98: {  	[sflag:s26] =	ssyncset.done $0x0  }
0x99: {  	[sflag:s26] =	ssyncadd.s32 $0xFFFFC000  }
0x9a: {  	[spmem:s1] =	stream.indirect.scatter.add.f32 [tilespmem:s29], [sflag:$0x2], $0x80, s25, s28, $0xb8;
	[tilespmem:$0x1FA80] =	vst v63  }
0x9b: {  	_ = 	snop  }
0x9c: {  	[tilespmem:s30], [sflag:$0x1] =	stream.indirect.gather [hbm4b:s4+s28], $0x80, s28, s28, $0xb8;
	[tilespmem:$0x1FA80] =	vst v63  }
0x9d: {  	_ =	swait.ge [sflag:s26], $0x4000  }
0x9e: {  	[sflag:s26] =	ssyncset.done $0x0  }
0x9f: {  	[sflag:s26] =	ssyncadd.s32 $0xFFFFC000  }
0xa0: {  	[spmem:s1] =	stream.indirect.scatter.add.f32 [tilespmem:s30], [sflag:$0x3], $0x80, s31, s28, $0xb8;
	[tilespmem:$0x1FA80] =	vst v63  }
0xa1: {  	_ =	swait.ge [sflag:s0], $0x4000  }
0xa2: {  	[sflag:s0] =	ssyncset.done $0x0  }
0xa3: {  	s8 =	simm.s32 $0x100;
	[sflag:s0] =	ssyncadd.s32 $0xFFFFC000  }
0xa4: {  	[tilespmem:s29], [sflag:$0x1] =	stream.indirect.gather [hbm4b:s4+s28], $0x80, s8, s28, $0xb8;
	[tilespmem:$0x1FA80] =	vst v63  }
0xa5: {  	_ =	swait.ge [sflag:s26], $0x4000  }
0xa6: {  	[sflag:s26] =	ssyncset.done $0x0  }
0xa7: {  	s9 =	simm.s32 $0x1500;
	[sflag:s26] =	ssyncadd.s32 $0xFFFFC000  }
0xa8: {  	[spmem:s1] =	stream.indirect.scatter.add.f32 [tilespmem:s29], [sflag:$0x2], $0x80, s9, s28, $0xb8;
	[tilespmem:$0x1FA80] =	vst v63  }
0xa9: {  	_ =	swait.ge [sflag:s7], $0x4000  }
0xaa: {  	[sflag:s7] =	ssyncset.done $0x0  }
0xab: {  	s14 =	simm.s32 $0x180;
	[sflag:s7] =	ssyncadd.s32 $0xFFFFC000  }
0xac: {  	[tilespmem:s30], [sflag:$0x1] =	stream.indirect.gather [hbm4b:s4+s28], $0x80, s14, s28, $0xb8;
	[tilespmem:$0x1FA80] =	vst v63  }
0xad: {  	_ =	swait.ge [sflag:s26], $0x4000  }
0xae: {  	[sflag:s26] =	ssyncset.done $0x0  }
0xaf: {  	s8 =	simm.s32 $0xFFFFB800;
	s9 =	simm.s32 $0x1580;
	[sflag:s26] =	ssyncadd.s32 $0xFFFFC000  }
.LBB2_13:
0xb0: {  	[spmem:s1] =	stream.indirect.scatter.add.f32 [tilespmem:s30], [sflag:$0x3], $0x80, s9, s28, $0xb8;
	[tilespmem:$0x1FA80] =	vst v63  }
0xb1: {  	s9 =	smov.u32 s8  }
0xb2: {  	p1 =	seq.s32 s8, $0xFFFFFC00;
	s8 =	sadd.s32 $0x400, s8;
	_ =	swait.ge [sflag:s0], $0x4000  }
0xb3: {  	s9 =	sshra.s32 s9, $0x2;
	[sflag:s0] =	ssyncset.done $0x0  }
0xb4: {  	s14 =	sadd.s32 $0x1400, s9;
	[sflag:s0] =	ssyncadd.s32 $0xFFFFC000  }
0xb5: {  	[tilespmem:s29], [sflag:$0x1] =	stream.indirect.gather [hbm4b:s4+s28], $0x80, s14, s28, $0xb8;
	[tilespmem:$0x1FA80] =	vst v63  }
0xb6: {  	_ =	swait.ge [sflag:s26], $0x4000  }
0xb7: {  	[sflag:s26] =	ssyncset.done $0x0  }
0xb8: {  	s14 =	sadd.s32 $0x2800, s9;
	[sflag:s26] =	ssyncadd.s32 $0xFFFFC000  }
0xb9: {  	[spmem:s1] =	stream.indirect.scatter.add.f32 [tilespmem:s29], [sflag:$0x2], $0x80, s14, s28, $0xb8;
	[tilespmem:$0x1FA80] =	vst v63  }
0xba: {  	_ =	swait.ge [sflag:s7], $0x4000  }
0xbb: {  	[sflag:s7] =	ssyncset.done $0x0  }
.Ltmp8:
0xbc: {  	s14 =	sadd.s32 $0x1480, s9;
	[sflag:s7] =	ssyncadd.s32 $0xFFFFC000;
	(pc) =	sbr.rel @!p1 .LBB2_13-.Ltmp8, $4  }
0xbd: {  	[tilespmem:s30], [sflag:$0x1] =	stream.indirect.gather [hbm4b:s4+s28], $0x80, s14, s28, $0xb8;
	[tilespmem:$0x1FA80] =	vst v63  }
0xbe: {  	_ =	swait.ge [sflag:s26], $0x4000  }
0xbf: {  	[sflag:s26] =	ssyncset.done $0x0  }
0xc0: {  	s9 =	sadd.s32 $0x2880, s9;
	[sflag:s26] =	ssyncadd.s32 $0xFFFFC000  }
.Ltmp9:
0xc1: {  	(pc) =	sbr.rel .LBB2_28-.Ltmp9, $4  }
0xc2: {  	_ = 	snop  }
0xc3: {  	[spmem:s1] =	stream.indirect.scatter.add.f32 [tilespmem:s30], [sflag:$0x3], $0x80, s9, s28, $0xb8;
	[tilespmem:$0x1FA80] =	vst v63  }
0xc4: {  	s9 =	rddreg [dreg:$0x6]  }
0xc5: {  	s8 =	rddreg [dreg:$0x8]  }
.LBB2_15:
0xc6: {  	[tilespmem:s29], [sflag:$0x1] =	stream.indirect.gather [hbm4b:s5+s28], $0x80, s3, s28, $0xb8;
	[tilespmem:$0x1FA80] =	vst v63  }
0xc7: {  	_ =	swait.ge [sflag:s26], $0x4000  }
0xc8: {  	[sflag:s26] =	ssyncset.done $0x0  }
0xc9: {  	[sflag:s26] =	ssyncadd.s32 $0xFFFFC000  }
0xca: {  	[spmem:s1] =	stream.indirect.scatter.add.f32 [tilespmem:s29], [sflag:$0x2], $0x80, s25, s28, $0xb8;
	[tilespmem:$0x1FA80] =	vst v63  }
0xcb: {  	_ = 	snop  }
0xcc: {  	[tilespmem:s30], [sflag:$0x1] =	stream.indirect.gather [hbm4b:s5+s28], $0x80, s28, s28, $0xb8;
	[tilespmem:$0x1FA80] =	vst v63  }
0xcd: {  	_ =	swait.ge [sflag:s26], $0x4000  }
0xce: {  	[sflag:s26] =	ssyncset.done $0x0  }
0xcf: {  	[sflag:s26] =	ssyncadd.s32 $0xFFFFC000  }
0xd0: {  	[spmem:s1] =	stream.indirect.scatter.add.f32 [tilespmem:s30], [sflag:$0x3], $0x80, s31, s28, $0xb8;
	[tilespmem:$0x1FA80] =	vst v63  }
0xd1: {  	_ =	swait.ge [sflag:s0], $0x4000  }
0xd2: {  	[sflag:s0] =	ssyncset.done $0x0  }
0xd3: {  	s8 =	simm.s32 $0x100;
	[sflag:s0] =	ssyncadd.s32 $0xFFFFC000  }
0xd4: {  	[tilespmem:s29], [sflag:$0x1] =	stream.indirect.gather [hbm4b:s5+s28], $0x80, s8, s28, $0xb8;
	[tilespmem:$0x1FA80] =	vst v63  }
0xd5: {  	_ =	swait.ge [sflag:s26], $0x4000  }
0xd6: {  	[sflag:s26] =	ssyncset.done $0x0  }
0xd7: {  	s9 =	simm.s32 $0x1500;
	[sflag:s26] =	ssyncadd.s32 $0xFFFFC000  }
0xd8: {  	[spmem:s1] =	stream.indirect.scatter.add.f32 [tilespmem:s29], [sflag:$0x2], $0x80, s9, s28, $0xb8;
	[tilespmem:$0x1FA80] =	vst v63  }
0xd9: {  	_ =	swait.ge [sflag:s7], $0x4000  }
0xda: {  	[sflag:s7] =	ssyncset.done $0x0  }
0xdb: {  	s14 =	simm.s32 $0x180;
	[sflag:s7] =	ssyncadd.s32 $0xFFFFC000  }
0xdc: {  	[tilespmem:s30], [sflag:$0x1] =	stream.indirect.gather [hbm4b:s5+s28], $0x80, s14, s28, $0xb8;
	[tilespmem:$0x1FA80] =	vst v63  }
0xdd: {  	_ =	swait.ge [sflag:s26], $0x4000  }
0xde: {  	[sflag:s26] =	ssyncset.done $0x0  }
0xdf: {  	s8 =	simm.s32 $0xFFFFB800;
	s9 =	simm.s32 $0x1580;
	[sflag:s26] =	ssyncadd.s32 $0xFFFFC000  }
.LBB2_16:
0xe0: {  	[spmem:s1] =	stream.indirect.scatter.add.f32 [tilespmem:s30], [sflag:$0x3], $0x80, s9, s28, $0xb8;
	[tilespmem:$0x1FA80] =	vst v63  }
0xe1: {  	s9 =	smov.u32 s8  }
0xe2: {  	p1 =	sne.s32 s8, $0xFFFFFC00;
	s8 =	sadd.s32 $0x400, s8;
	_ =	swait.ge [sflag:s0], $0x4000  }
0xe3: {  	s9 =	sshra.s32 s9, $0x2;
	[sflag:s0] =	ssyncset.done $0x0  }
0xe4: {  	s14 =	sadd.s32 $0x1400, s9;
	[sflag:s0] =	ssyncadd.s32 $0xFFFFC000  }
0xe5: {  	[tilespmem:s29], [sflag:$0x1] =	stream.indirect.gather [hbm4b:s5+s28], $0x80, s14, s28, $0xb8;
	[tilespmem:$0x1FA80] =	vst v63  }
0xe6: {  	_ =	swait.ge [sflag:s26], $0x4000  }
0xe7: {  	[sflag:s26] =	ssyncset.done $0x0  }
0xe8: {  	s14 =	sadd.s32 $0x2800, s9;
	[sflag:s26] =	ssyncadd.s32 $0xFFFFC000  }
0xe9: {  	[spmem:s1] =	stream.indirect.scatter.add.f32 [tilespmem:s29], [sflag:$0x2], $0x80, s14, s28, $0xb8;
	[tilespmem:$0x1FA80] =	vst v63  }
0xea: {  	_ =	swait.ge [sflag:s7], $0x4000  }
0xeb: {  	[sflag:s7] =	ssyncset.done $0x0  }
.Ltmp10:
0xec: {  	s14 =	sadd.s32 $0x1480, s9;
	[sflag:s7] =	ssyncadd.s32 $0xFFFFC000;
	(pc) =	sbr.rel @p1 .LBB2_16-.Ltmp10, $4  }
0xed: {  	[tilespmem:s30], [sflag:$0x1] =	stream.indirect.gather [hbm4b:s5+s28], $0x80, s14, s28, $0xb8;
	[tilespmem:$0x1FA80] =	vst v63  }
0xee: {  	_ =	swait.ge [sflag:s26], $0x4000  }
0xef: {  	[sflag:s26] =	ssyncset.done $0x0  }
0xf0: {  	s9 =	sadd.s32 $0x2880, s9;
	[sflag:s26] =	ssyncadd.s32 $0xFFFFC000  }
0xf1: {  	[spmem:s1] =	stream.indirect.scatter.add.f32 [tilespmem:s30], [sflag:$0x3], $0x80, s9, s28, $0xb8;
	[tilespmem:$0x1FA80] =	vst v63  }
0xf2: {  	_ =	swait.ge [sflag:s0], $0x4000  }
0xf3: {  	[sflag:s0] =	ssyncset.done $0x0  }
0xf4: {  	[sflag:s0] =	ssyncadd.s32 $0xFFFFC000  }
0xf5: {  	_ =	swait.ge [sflag:s7], $0x4000  }
0xf6: {  	[sflag:s7] =	ssyncset.done $0x0  }
0xf7: {  	s8 =	simm.s32 $0x0;
	[sflag:s7] =	ssyncadd.s32 $0xFFFFC000  }
0xf8: {  	[tilespmem:s8], [sflag:$0x1] =	stream.linear.gather [hbm4b:s19+s8], $0x1400, $0x38;
	[tilespmem:$0x1FA80] =	vst v63  }
0xf9: {  	_ = 	snop  }
0xfa: {  	[tilespmem:s25], [sflag:$0x1] =	stream.linear.gather [hbm4b:s20+s8], $0x1400, $0x38;
	[tilespmem:$0x1FA80] =	vst v63  }
0xfb: {  	_ =	swait.ge [sflag:s26], $0x1400  }
0xfc: {  	[sflag:s26] =	ssyncset.done $0x0  }
0xfd: {  	[sflag:s26] =	ssyncadd.s32 $0xFFFFEC00  }
0xfe: {  	_ =	swait.ge [sflag:s26], $0x1400  }
0xff: {  	s9 =	simm.s32 $0xA800;
	[sflag:s26] =	ssyncset.done $0x0  }
0x100: {  	s14 =	simm.s32 $0x1400;
	s8 =	simm.s32 $0x200;
	[sflag:s26] =	ssyncadd.s32 $0xFFFFEC00  }
.LBB2_18:
0x101: {  	[tilespmem:s9], [sflag:$0x4] =	stream.indirect.gather [hbm4b:s6+s28], $0x1, s14, s28, $0xb8;
	[tilespmem:$0x1FA80] =	vst v63  }
0x102: {  	s9 =	smov.u32 s8;
	p1 =	sne.s32 s8, $0x4E00  }
.Ltmp11:
0x103: {  	s8 =	sadd.s32 $0x200, s8;
	(pc) =	sbr.rel @p1 .LBB2_18-.Ltmp11, $3  }
0x104: {  	_ =	sdelay $0x1  }
0x105: {  	s14 =	sshra.s32 s9, $0x2  }
0x106: {  	s9 =	sadd.s32 $0xA800, s14;
	s14 =	sadd.s32 $0x1400, s14  }
0x107: {  	[tilespmem:s9], [sflag:$0x4] =	stream.indirect.gather [hbm4b:s6+s28], $0x1, s14, s28, $0xb8;
	[tilespmem:$0x1FA80] =	vst v63  }
0x108: {  	_ = 	snop  }
0x109: {  	[tilespmem:s29], [sflag:$0x1] =	stream.indirect.gather [hbm4b:s5+s28], $0x80, s3, s28, $0xb8;
	[tilespmem:$0x1FA80] =	vst v63  }
0x10a: {  	_ =	swait.ge [sflag:s26], $0x4000  }
0x10b: {  	[sflag:s26] =	ssyncset.done $0x0  }
0x10c: {  	[sflag:s26] =	ssyncadd.s32 $0xFFFFC000  }
0x10d: {  	[spmem:s1] =	stream.indirect.scatter.add.f32 [tilespmem:s29], [sflag:$0x2], $0x80, s25, s28, $0xb8;
	[tilespmem:$0x1FA80] =	vst v63  }
0x10e: {  	_ = 	snop  }
0x10f: {  	[tilespmem:s30], [sflag:$0x1] =	stream.indirect.gather [hbm4b:s5+s28], $0x80, s28, s28, $0xb8;
	[tilespmem:$0x1FA80] =	vst v63  }
0x110: {  	_ =	swait.ge [sflag:s26], $0x4000  }
0x111: {  	[sflag:s26] =	ssyncset.done $0x0  }
0x112: {  	[sflag:s26] =	ssyncadd.s32 $0xFFFFC000  }
0x113: {  	[spmem:s1] =	stream.indirect.scatter.add.f32 [tilespmem:s30], [sflag:$0x3], $0x80, s31, s28, $0xb8;
	[tilespmem:$0x1FA80] =	vst v63  }
0x114: {  	_ =	swait.ge [sflag:s0], $0x4000  }
0x115: {  	[sflag:s0] =	ssyncset.done $0x0  }
0x116: {  	s8 =	simm.s32 $0x100;
	[sflag:s0] =	ssyncadd.s32 $0xFFFFC000  }
0x117: {  	[tilespmem:s29], [sflag:$0x1] =	stream.indirect.gather [hbm4b:s5+s28], $0x80, s8, s28, $0xb8;
	[tilespmem:$0x1FA80] =	vst v63  }
0x118: {  	_ =	swait.ge [sflag:s26], $0x4000  }
0x119: {  	[sflag:s26] =	ssyncset.done $0x0  }
0x11a: {  	s9 =	simm.s32 $0x1500;
	[sflag:s26] =	ssyncadd.s32 $0xFFFFC000  }
0x11b: {  	[spmem:s1] =	stream.indirect.scatter.add.f32 [tilespmem:s29], [sflag:$0x2], $0x80, s9, s28, $0xb8;
	[tilespmem:$0x1FA80] =	vst v63  }
0x11c: {  	_ =	swait.ge [sflag:s7], $0x4000  }
0x11d: {  	[sflag:s7] =	ssyncset.done $0x0  }
0x11e: {  	s14 =	simm.s32 $0x180;
	[sflag:s7] =	ssyncadd.s32 $0xFFFFC000  }
0x11f: {  	[tilespmem:s30], [sflag:$0x1] =	stream.indirect.gather [hbm4b:s5+s28], $0x80, s14, s28, $0xb8;
	[tilespmem:$0x1FA80] =	vst v63  }
0x120: {  	_ =	swait.ge [sflag:s26], $0x4000  }
0x121: {  	[sflag:s26] =	ssyncset.done $0x0  }
0x122: {  	s8 =	simm.s32 $0xFFFFB800;
	s9 =	simm.s32 $0x1580;
	[sflag:s26] =	ssyncadd.s32 $0xFFFFC000  }
.LBB2_20:
0x123: {  	[spmem:s1] =	stream.indirect.scatter.add.f32 [tilespmem:s30], [sflag:$0x3], $0x80, s9, s28, $0xb8;
	[tilespmem:$0x1FA80] =	vst v63  }
0x124: {  	s9 =	smov.u32 s8  }
0x125: {  	p1 =	sne.s32 s8, $0xFFFFFC00;
	s8 =	sadd.s32 $0x400, s8;
	_ =	swait.ge [sflag:s0], $0x4000  }
0x126: {  	s9 =	sshra.s32 s9, $0x2;
	[sflag:s0] =	ssyncset.done $0x0  }
0x127: {  	s14 =	sadd.s32 $0x1400, s9;
	[sflag:s0] =	ssyncadd.s32 $0xFFFFC000  }
0x128: {  	[tilespmem:s29], [sflag:$0x1] =	stream.indirect.gather [hbm4b:s5+s28], $0x80, s14, s28, $0xb8;
	[tilespmem:$0x1FA80] =	vst v63  }
0x129: {  	_ =	swait.ge [sflag:s26], $0x4000  }
0x12a: {  	[sflag:s26] =	ssyncset.done $0x0  }
0x12b: {  	s14 =	sadd.s32 $0x2800, s9;
	[sflag:s26] =	ssyncadd.s32 $0xFFFFC000  }
0x12c: {  	[spmem:s1] =	stream.indirect.scatter.add.f32 [tilespmem:s29], [sflag:$0x2], $0x80, s14, s28, $0xb8;
	[tilespmem:$0x1FA80] =	vst v63  }
0x12d: {  	_ =	swait.ge [sflag:s7], $0x4000  }
0x12e: {  	[sflag:s7] =	ssyncset.done $0x0  }
.Ltmp12:
0x12f: {  	s14 =	sadd.s32 $0x1480, s9;
	[sflag:s7] =	ssyncadd.s32 $0xFFFFC000;
	(pc) =	sbr.rel @p1 .LBB2_20-.Ltmp12, $4  }
0x130: {  	[tilespmem:s30], [sflag:$0x1] =	stream.indirect.gather [hbm4b:s5+s28], $0x80, s14, s28, $0xb8;
	[tilespmem:$0x1FA80] =	vst v63  }
0x131: {  	_ =	swait.ge [sflag:s26], $0x4000  }
0x132: {  	[sflag:s26] =	ssyncset.done $0x0  }
0x133: {  	s9 =	sadd.s32 $0x2880, s9;
	[sflag:s26] =	ssyncadd.s32 $0xFFFFC000  }
0x134: {  	[spmem:s1] =	stream.indirect.scatter.add.f32 [tilespmem:s30], [sflag:$0x3], $0x80, s9, s28, $0xb8;
	[tilespmem:$0x1FA80] =	vst v63  }
0x135: {  	s8 =	simm.s32 $0x28  }
.LBB2_22:
0x136: {  	p1 =	sne.s32 s8, $0x1  }
.Ltmp13:
0x137: {  	_ = 	snop;
	(pc) =	sbr.rel @p1 .LBB2_22-.Ltmp13, $4  }
0x138: {  	_ = 	snop  }
0x139: {  	_ =	swait.ge [sflag:s10], $0x80  }
0x13a: {  	[sflag:s10] =	ssyncset.done $0x0  }
0x13b: {  	s8 =	sadd.s32 $0xFFFFFFFF, s8;
	[sflag:s10] =	ssyncadd.s32 $0xFFFFFF80  }
0x13c: {  	s8 =	simm.s32 $0x0  }
.LBB2_24:
0x13d: {  	p1 =	sne.s32 s8, $0x4E00  }
.Ltmp14:
0x13e: {  	_ = 	snop;
	(pc) =	sbr.rel @p1 .LBB2_24-.Ltmp14, $4  }
0x13f: {  	_ = 	snop  }
0x140: {  	s9 =	sshra.s32 s8, $0x2  }
0x141: {  	s8 =	sadd.s32 $0x200, s8;
	s14 =	sadd.s32 $0xA800, s9  }
0x142: {  	[spmem:s2] =	stream.indirect.scatter.add.f32 [tilespmem:s14], [sflag:$0x4], $0x1, s9, s28, $0xb8;
	[tilespmem:$0x1FA80] =	vst v63  }
0x143: {  	_ =	swait.ge [sflag:s10], $0x80  }
0x144: {  	s8 =	simm.s32 $0x27;
	[sflag:s10] =	ssyncset.done $0x0  }
.LBB2_26:
0x145: {  	p1 =	sne.s32 s8, $0x1;
	s8 =	sadd.s32 $0xFFFFFFFF, s8;
	[sflag:s10] =	ssyncadd.s32 $0xFFFFFF80  }
.Ltmp15:
0x146: {  	(pc) =	sbr.rel @p1 .LBB2_26-.Ltmp15, $3  }
0x147: {  	_ =	sdelay $0x1  }
0x148: {  	_ =	swait.ge [sflag:s10], $0x80  }
0x149: {  	[sflag:s10] =	ssyncset.done $0x0  }
.Ltmp16:
0x14a: {  	_ = 	snop;
	(pc) =	sbr.rel .LBB2_27-.Ltmp16, $1  }
0x14b: {  	_ =	sdelay $0x3  }
.LBB2_29:
0x14c: {  	_ =	sfence.sel $0x180000  }
0x14d: {  	[bflag:$0x0] =	sbarrier.arrive $0xFFFF  }
0x14e: {  	_ =	strace $0x9000004A  }
0x14f: {  	s0 =	stileid.u32;
	[bflag:$0x2] =	sbarrier.arrive $0xFFFF  }
0x150: {  	p0 =	sne.s32 s0, $0x0;
	s0 =	rddreg [dreg:$0x3]  }
0x151: {  	s0 =	sadd.s32 @!p0 $0x100000, s0  }
0x152: {  	[sflag:s0] =	ssyncadd.tile.s32 @!p0 $0x1;
	_ =	shalt  }
.Lfunc_end2:
_tile_overlayer_lowered:
.L_overlay_start_2:
0x153: {  	(tag) =	ssettag $0x2  }
0x154: {  	s0 =	rddreg [dreg:$0x0];
	s2 =	stileid.u32  }
0x155: {  	s1 =	rddreg [dreg:$0x1];
	p0 =	sne.s32 s2, $0x0  }
0x156: {  	s3 =	rddreg [dreg:$0x2];
	[bflag:$0x3] =	sbarrier.arrive $0xFFFF;
	s2 =	simm.s32 @!p0 $0x1C05  }
0x157: {  	[timem:s3], [sflag:s2] =	dma.local @!p0 [hbm:s0], s1  }
0x158: {  	s0 =	simm.s32 @!p0 $0x5  }
0x159: {  	_ =	swait.ge @!p0 [sflag:s0], s1  }
0x15a: {  	s1 =	ssub.s32 @!p0 $0x0, s1;
	[sflag:s0] =	ssyncset.done @!p0 $0x0  }
0x15b: {  	[sflag:s0] =	ssyncadd.s32 @!p0 s1  }
0x15c: {  	[bflag:$0x3] =	sbarrier.arrive $0xFFFF  }
0x15d: {  	_ =	shalt  }

</sc_bundles>
